<compile_context>
chip_gen: v7x
topology: tpu7x:2x2x1
jax: 0.10.2.dev20260603
libtpu: 0.0.44.dev20260713+nightly
codegen_flags: <defaults>
</compile_context>

<pallas_src>
import jax
import jax.numpy as jnp
from jax import lax
from jax.experimental import pallas as pl
from jax.experimental.pallas import tpu as pltpu
from jax.experimental.pallas import tpu_sc as plsc

B, H, W_IN, C_CH = 8, 112, 112, 96
M = B * H * W_IN * C_CH
N = M * 4
NC, NS = 2, 16
NP = 12
WWIN = N // (NP * NC)
SEG = M // NS
CHUNK = 5376
NCHUNK = SEG // CHUNK
ROWS = CHUNK // 128
RW = 128
RC = 16
LN = 256
MAXOUT = 8
FLUSH = WWIN // NS
ZCH = 2048
NZ = FLUSH // ZCH


def _body(idx_hbm, upd_hbm, out_hbm, win_ref, i0, v0, i1, v1, cidx, cval,
          line_i, line_v, zbuf, sem0, sem1, semz, sems):
    cid = lax.axis_index("c")
    sid = lax.axis_index("s")
    zeros16 = jnp.zeros((16,), jnp.float32)
    iota16 = lax.iota(jnp.int32, 16)

    def zero_zbuf(i, _):
        zbuf[pl.ds(i * 16, 16)] = zeros16
        return 0

    lax.fori_loop(0, ZCH // 16, zero_zbuf, 0)

    def fire(ch, ib, vb, sem):
        off = sid * SEG + ch * CHUNK
        pltpu.async_copy(idx_hbm.at[pl.ds(off, CHUNK)], ib, sem)
        pltpu.async_copy(upd_hbm.at[pl.ds(off, CHUNK)], vb, sem)

    def wait(ib, vb, sem):
        pltpu.make_async_copy(idx_hbm.at[pl.ds(0, CHUNK)], ib, sem).wait()
        pltpu.make_async_copy(upd_hbm.at[pl.ds(0, CHUNK)], vb, sem).wait()

    def wait_scat():
        pltpu.make_async_copy(cval.at[0], win_ref.at[cidx.at[0]],
                              sems).wait()

    def one_pass(p, _):
        win = p * NC + cid
        base = win * WWIN

        fire(0, i0, v0, sem0)
        fire(1, i1, v1, sem1)

        def zfill(z, _):
            pltpu.async_copy(
                zbuf, win_ref.at[pl.ds(sid * FLUSH + z * ZCH, ZCH)], semz)
            return 0

        lax.fori_loop(0, NZ, zfill, 0)

        def zwait(z, _):
            pltpu.make_async_copy(
                zbuf, win_ref.at[pl.ds(sid * FLUSH, ZCH)], semz).wait()
            return 0

        lax.fori_loop(0, NZ, zwait, 0)
        plsc.subcore_barrier()

        def process(ib, vb, q, row, waited):
            def one_row(r, carry):
                q, row, waited = carry
                tv, uvv, hitv, pcs = [], [], [], []
                for c in range(8):
                    sl = pl.ds(r * 128 + c * 16, 16)
                    t = ib[sl] - base
                    uv = vb[sl]
                    hit = plsc.bitcast(t, jnp.uint32) < jnp.uint32(WWIN)
                    pc = plsc.all_reduce_population_count(hit)
                    tv.append(t)
                    uvv.append(uv)
                    hitv.append(hit)
                    pcs.append(pc[0])
                offs = [q]
                for c in range(8):
                    offs.append(offs[c] + pcs[c])
                for c in range(8):
                    plsc.store_compressed(line_i.at[pl.ds(offs[c], 16)],
                                          tv[c], mask=hitv[c])
                    plsc.store_compressed(line_v.at[pl.ds(offs[c], 16)],
                                          uvv[c], mask=hitv[c])
                qn = offs[8]

                @pl.when(qn >= RW)
                def _():
                    rr = jnp.bitwise_and(row, RC - 1)
                    for k in range(8):
                        sl = pl.ds(k * 16, 16)
                        cidx[rr, sl] = line_i[sl]
                        cval[rr, sl] = line_v[sl]
                    for k in range(8):
                        sl = pl.ds(k * 16, 16)
                        shl = pl.ds(RW + k * 16, 16)
                        line_i[sl] = line_i[shl]
                        line_v[sl] = line_v[shl]
                    pltpu.async_copy(cval.at[rr], win_ref.at[cidx.at[rr]],
                                     sems, add=True)

                    @pl.when(row - waited >= MAXOUT)
                    def _():
                        wait_scat()

                ovf = qn >= RW
                winc = jnp.logical_and(ovf, row - waited >= MAXOUT)
                q = jnp.where(ovf, qn - RW, qn)
                row = jnp.where(ovf, row + 1, row)
                waited = jnp.where(winc, waited + 1, waited)
                return q, row, waited

            return lax.fori_loop(0, ROWS, one_row, (q, row, waited))

        def two_chunks(g, carry):
            q, row, waited = carry
            wait(i0, v0, sem0)
            q, row, waited = process(i0, v0, q, row, waited)

            @pl.when(g < NCHUNK // 2 - 1)
            def _():
                fire(2 * g + 2, i0, v0, sem0)

            wait(i1, v1, sem1)
            q, row, waited = process(i1, v1, q, row, waited)

            @pl.when(g < NCHUNK // 2 - 1)
            def _():
                fire(2 * g + 3, i1, v1, sem1)

            return q, row, waited

        q, row, waited = lax.fori_loop(
            0, NCHUNK // 2, two_chunks,
            (jnp.int32(0), jnp.int32(0), jnp.int32(0)))

        def dwait(s, _):
            wait_scat()
            return 0

        lax.fori_loop(waited, row, dwait, 0)

        @pl.when(q > 0)
        def _():
            rr = jnp.bitwise_and(row, RC - 1)
            for j in range(RW // 16):
                slc = pl.ds(j * 16, 16)
                keep = (iota16 + j * 16) < q
                cval[rr, slc] = jnp.where(keep, line_v[slc], 0.0)
                cidx[rr, slc] = jnp.where(keep, line_i[slc],
                                          (iota16 + j * 16) * 52)
            pltpu.sync_copy(cval.at[rr], win_ref.at[cidx.at[rr]], add=True)

        plsc.subcore_barrier()

        pltpu.sync_copy(
            win_ref.at[pl.ds(sid * FLUSH, FLUSH)],
            out_hbm.at[pl.ds(base + sid * FLUSH, FLUSH)],
        )
        plsc.subcore_barrier()
        return 0

    lax.fori_loop(0, NP, one_pass, 0)


@jax.jit
def kernel(updates, mask):
    flat_idx = jnp.reshape(mask, (-1,)).astype(jnp.int32)
    flat_upd = jnp.reshape(updates, (-1,))
    mesh = plsc.VectorSubcoreMesh(core_axis_name="c", subcore_axis_name="s")
    out = pl.kernel(
        _body,
        compiler_params=pltpu.CompilerParams(needs_layout_passes=False),
        out_type=jax.ShapeDtypeStruct((N,), jnp.float32),
        mesh=mesh,
        scratch_types=[
            pltpu.VMEM_SHARED((WWIN,), jnp.float32),
            pltpu.VMEM((CHUNK,), jnp.int32),
            pltpu.VMEM((CHUNK,), jnp.float32),
            pltpu.VMEM((CHUNK,), jnp.int32),
            pltpu.VMEM((CHUNK,), jnp.float32),
            pltpu.VMEM((RC, RW), jnp.int32),
            pltpu.VMEM((RC, RW), jnp.float32),
            pltpu.VMEM((LN,), jnp.int32),
            pltpu.VMEM((LN,), jnp.float32),
            pltpu.VMEM((ZCH,), jnp.float32),
            pltpu.SemaphoreType.DMA,
            pltpu.SemaphoreType.DMA,
            pltpu.SemaphoreType.DMA,
            pltpu.SemaphoreType.DMA,
        ],
    )(flat_idx, flat_upd)
    return jnp.reshape(out, (B, H * 2, W_IN * 2, C_CH))

# --- scband reference (transcript-rebuilt; emitter-appended) ---
"""Pipeline reference for scband-max-unpooling2-d-24584392802909 (READ-ONLY COPY).

The authoritative reference and input builder live on the scoring server;
editing this copy changes nothing except your own understanding.
"""

import jax, jax.numpy as jnp
import numpy as np

SIZE = (2, 2)

def setup_inputs(seed: int = 0) -> dict:
    key = jax.random.key(seed)
    k1, k2 = jax.random.split(key)
    B, H, W, C = 8, 112, 112, 96
    out_numel = B * (H * SIZE[0]) * (W * SIZE[1]) * C
    updates = jax.random.normal(k1, (B, H, W, C), dtype=jnp.float32)
    mask = jax.random.randint(k2, (B, H, W, C), 0, out_numel, dtype=jnp.int32)
    return {"updates": updates, "mask": mask}

def reference(updates, mask):
    # Faithful translation of MaxUnpooling2D.call (out_shape=None, size=(2,2)).
    B, H, W, C = updates.shape
    out_h = H * SIZE[0]
    out_w = W * SIZE[1]
    out_numel = B * out_h * out_w * C
    mask = mask.astype(jnp.int32)
    flat_idx = jnp.reshape(mask, (-1,))
    flat_upd = jnp.reshape(updates, (-1,))
    # tf.scatter_nd accumulates duplicate indices -> scatter-add
    ret = jnp.zeros((out_numel,), dtype=updates.dtype).at[flat_idx].add(flat_upd)
    return jnp.reshape(ret, (B, out_h, out_w, C))

if __name__ == "__main__":
    import jax
    _d = setup_inputs()
    print(jax.jit(kernel)(*tuple(_d.values())))

</pallas_src>

<mosaic_0001>
#map = affine_map<(d0, d1) -> (0)>
module attributes {stable_mosaic.version = 14 : i64} {
  func.func @_body(%arg0: i32, %arg1: i32, %arg2: memref<9633792xi32, #tpu.memory_space<hbm>>, %arg3: memref<9633792xf32, #tpu.memory_space<hbm>>, %arg4: memref<38535168xf32, #tpu.memory_space<hbm>>, %arg5: memref<1605632xf32, #tpu.memory_space<vmem_shared>>, %arg6: memref<5376xi32, #tpu.memory_space<vmem>>, %arg7: memref<5376xf32, #tpu.memory_space<vmem>>, %arg8: memref<5376xi32, #tpu.memory_space<vmem>>, %arg9: memref<5376xf32, #tpu.memory_space<vmem>>, %arg10: memref<16x128xi32, #tpu.memory_space<vmem>>, %arg11: memref<16x128xf32, #tpu.memory_space<vmem>>, %arg12: memref<256xi32, #tpu.memory_space<vmem>>, %arg13: memref<256xf32, #tpu.memory_space<vmem>>, %arg14: memref<2048xf32, #tpu.memory_space<vmem>>, %arg15: memref<!tpu.dma_semaphore, #tpu.memory_space<semaphore_mem>>, %arg16: memref<!tpu.dma_semaphore, #tpu.memory_space<semaphore_mem>>, %arg17: memref<!tpu.dma_semaphore, #tpu.memory_space<semaphore_mem>>, %arg18: memref<!tpu.dma_semaphore, #tpu.memory_space<semaphore_mem>>) attributes {dimension_semantics = [#tpu.dimension_semantics<core_parallel>, #tpu.dimension_semantics<subcore_parallel>], iteration_bounds = array<i64: 2, 16>, scalar_prefetch = 0 : i64, scratch_operands = 14 : i64, tpu.core_type = #tpu.core_type<sc_vector_subcore>, window_params = [{transform_indices = #map}, {transform_indices = #map}, {transform_indices = #map}]} {
    %broadcast_in_dim3A = arith.constant 0.000000e+00 : f32
    %broadcast_in_dim3A_0 = vector.broadcast %broadcast_in_dim3A : f32 to vector<16xf32>
    %iota3A = tpu.iota {dimensions = array<i32: 0>} : vector<16xi32>
    %scan3A = arith.constant 0 : i32
    %scan3A_1 = arith.constant 0 : i32
    %scan3A_2 = arith.constant 128 : i32
    %scan3A_3 = arith.addi %scan3A_1, %scan3A_2 : i32
    %scan3A_4 = arith.constant 1 : i32
    %scan3A_5 = scf.for %scan3A_14 = %scan3A_1 to %scan3A_3 step %scan3A_4 iter_args(%scan3A_15 = %scan3A) -> (i32)  : i32 {
      %mul3A = arith.constant 16 : i32
      %mul3A_16 = arith.muli %scan3A_14, %mul3A : i32
      %swap3A = arith.index_cast %mul3A_16 : i32 to index
      %swap3A_17 = tpu.vector_load %arg14[%swap3A] {strides = array<i32>} : memref<2048xf32, #tpu.memory_space<vmem>>, vector<16xf32>,
      tpu.vector_store %arg14[%swap3A], %broadcast_in_dim3A_0 {strides = array<i32>} : memref<2048xf32, #tpu.memory_space<vmem>>, vector<16xf32>,
      %scan3A_18 = arith.constant 0 : i32
      scf.yield %scan3A_18 : i32
    }
    %scan3A_6 = arith.constant 128 : i32
    %scan3A_7 = arith.constant 0 : i32
    %scan3A_8 = arith.constant 0 : i32
    %scan3A_9 = arith.constant 12 : i32
    %scan3A_10 = arith.addi %scan3A_8, %scan3A_9 : i32
    %scan3A_11 = arith.constant 1 : i32
    %scan3A_12 = scf.for %scan3A_14 = %scan3A_8 to %scan3A_10 step %scan3A_11 iter_args(%scan3A_15 = %scan3A_7) -> (i32)  : i32 {
      %mul3A = arith.constant 2 : i32
      %mul3A_16 = arith.muli %scan3A_14, %mul3A : i32
      %add3A = arith.addi %mul3A_16, %arg0 : i32
      %mul3A_17 = arith.constant 1605632 : i32
      %mul3A_18 = arith.muli %add3A, %mul3A_17 : i32
      %mul3A_19 = arith.constant 602112 : i32
      %mul3A_20 = arith.muli %arg1, %mul3A_19 : i32
      %add3A_21 = arith.constant 0 : i32
      %add3A_22 = arith.addi %mul3A_20, %add3A_21 : i32
      %dma_start3A = tpu.memref_slice %arg2[%add3A_22] : memref<9633792xi32, #tpu.memory_space<hbm>> -> memref<5376xi32, #tpu.memory_space<hbm>>
      %dma_start3A_23 = tpu.memref_slice %arg2[%add3A_22] : memref<9633792xi32, #tpu.memory_space<hbm>> -> memref<5376xi32, #tpu.memory_space<hbm>>
      tpu.enqueue_dma source(%dma_start3A_23 : memref<5376xi32, #tpu.memory_space<hbm>>) target(%arg6 : memref<5376xi32, #tpu.memory_space<vmem>>) target_semaphore(%arg15 : memref<!tpu.dma_semaphore, #tpu.memory_space<semaphore_mem>>)
      %dma_start3A_24 = tpu.memref_slice %arg3[%add3A_22] : memref<9633792xf32, #tpu.memory_space<hbm>> -> memref<5376xf32, #tpu.memory_space<hbm>>
      %dma_start3A_25 = tpu.memref_slice %arg3[%add3A_22] : memref<9633792xf32, #tpu.memory_space<hbm>> -> memref<5376xf32, #tpu.memory_space<hbm>>
      tpu.enqueue_dma source(%dma_start3A_25 : memref<5376xf32, #tpu.memory_space<hbm>>) target(%arg7 : memref<5376xf32, #tpu.memory_space<vmem>>) target_semaphore(%arg15 : memref<!tpu.dma_semaphore, #tpu.memory_space<semaphore_mem>>)
      %mul3A_26 = arith.constant 602112 : i32
      %mul3A_27 = arith.muli %arg1, %mul3A_26 : i32
      %add3A_28 = arith.constant 5376 : i32
      %add3A_29 = arith.addi %mul3A_27, %add3A_28 : i32
      %dma_start3A_30 = tpu.memref_slice %arg2[%add3A_29] : memref<9633792xi32, #tpu.memory_space<hbm>> -> memref<5376xi32, #tpu.memory_space<hbm>>
      %dma_start3A_31 = tpu.memref_slice %arg2[%add3A_29] : memref<9633792xi32, #tpu.memory_space<hbm>> -> memref<5376xi32, #tpu.memory_space<hbm>>
      tpu.enqueue_dma source(%dma_start3A_31 : memref<5376xi32, #tpu.memory_space<hbm>>) target(%arg8 : memref<5376xi32, #tpu.memory_space<vmem>>) target_semaphore(%arg16 : memref<!tpu.dma_semaphore, #tpu.memory_space<semaphore_mem>>)
      %dma_start3A_32 = tpu.memref_slice %arg3[%add3A_29] : memref<9633792xf32, #tpu.memory_space<hbm>> -> memref<5376xf32, #tpu.memory_space<hbm>>
      %dma_start3A_33 = tpu.memref_slice %arg3[%add3A_29] : memref<9633792xf32, #tpu.memory_space<hbm>> -> memref<5376xf32, #tpu.memory_space<hbm>>
      tpu.enqueue_dma source(%dma_start3A_33 : memref<5376xf32, #tpu.memory_space<hbm>>) target(%arg9 : memref<5376xf32, #tpu.memory_space<vmem>>) target_semaphore(%arg16 : memref<!tpu.dma_semaphore, #tpu.memory_space<semaphore_mem>>)
      %scan3A_34 = arith.constant 0 : i32
      %scan3A_35 = arith.constant 0 : i32
      %scan3A_36 = arith.constant 49 : i32
      %scan3A_37 = arith.addi %scan3A_35, %scan3A_36 : i32
      %scan3A_38 = arith.constant 1 : i32
      %scan3A_39 = scf.for %scan3A_77 = %scan3A_35 to %scan3A_37 step %scan3A_38 iter_args(%scan3A_78 = %scan3A_34) -> (i32)  : i32 {
        %mul3A_79 = arith.constant 100352 : i32
        %mul3A_80 = arith.muli %arg1, %mul3A_79 : i32
        %mul3A_81 = arith.constant 2048 : i32
        %mul3A_82 = arith.muli %scan3A_77, %mul3A_81 : i32
        %add3A_83 = arith.addi %mul3A_80, %mul3A_82 : i32
        %dma_start3A_84 = tpu.memref_slice %arg5[%add3A_83] : memref<1605632xf32, #tpu.memory_space<vmem_shared>> -> memref<2048xf32, #tpu.memory_space<vmem_shared>>
        %dma_start3A_85 = tpu.memref_slice %arg5[%add3A_83] : memref<1605632xf32, #tpu.memory_space<vmem_shared>> -> memref<2048xf32, #tpu.memory_space<vmem_shared>>
        tpu.enqueue_dma source(%arg14 : memref<2048xf32, #tpu.memory_space<vmem>>) target(%dma_start3A_85 : memref<2048xf32, #tpu.memory_space<vmem_shared>>) target_semaphore(%arg17 : memref<!tpu.dma_semaphore, #tpu.memory_space<semaphore_mem>>)
        %scan3A_86 = arith.constant 0 : i32
        scf.yield %scan3A_86 : i32
      }
      %scan3A_40 = arith.constant 49 : i32
      %scan3A_41 = arith.constant 0 : i32
      %scan3A_42 = arith.constant 0 : i32
      %scan3A_43 = arith.constant 49 : i32
      %scan3A_44 = arith.addi %scan3A_42, %scan3A_43 : i32
      %scan3A_45 = arith.constant 1 : i32
      %scan3A_46 = scf.for %scan3A_77 = %scan3A_42 to %scan3A_44 step %scan3A_45 iter_args(%scan3A_78 = %scan3A_41) -> (i32)  : i32 {
        %mul3A_79 = arith.constant 100352 : i32
        %mul3A_80 = arith.muli %arg1, %mul3A_79 : i32
        %dma_wait3A = tpu.memref_slice %arg5[%mul3A_80] : memref<1605632xf32, #tpu.memory_space<vmem_shared>> -> memref<2048xf32, #tpu.memory_space<vmem_shared>>
        %dma_wait3A_81 = tpu.memref_slice %arg5[%mul3A_80] : memref<1605632xf32, #tpu.memory_space<vmem_shared>> -> memref<2048xf32, #tpu.memory_space<vmem_shared>>
        tpu.wait_dma2 semaphore(%arg17 : memref<!tpu.dma_semaphore, #tpu.memory_space<semaphore_mem>>) src(%arg14 : memref<2048xf32, #tpu.memory_space<vmem>>) dst(%dma_wait3A_81 : memref<2048xf32, #tpu.memory_space<vmem_shared>>)
        %scan3A_82 = arith.constant 0 : i32
        scf.yield %scan3A_82 : i32
      }
      %scan3A_47 = arith.constant 49 : i32
      %barrier3A = arith.constant 0 : index
      tpu.barrier barrier_id(%barrier3A)
      %scan3A_48 = arith.constant 0 : i32
      %scan3A_49 = arith.constant 0 : i32
      %scan3A_50 = arith.constant 0 : i32
      %scan3A_51 = arith.constant 0 : i32
      %scan3A_52 = arith.constant 56 : i32
      %scan3A_53 = arith.addi %scan3A_51, %scan3A_52 : i32
      %scan3A_54 = arith.constant 1 : i32
      %scan3A_55:3 = scf.for %scan3A_77 = %scan3A_51 to %scan3A_53 step %scan3A_54 iter_args(%scan3A_78 = %scan3A_48, %scan3A_79 = %scan3A_49, %scan3A_80 = %scan3A_50) -> (i32, i32, i32)  : i32 {
        %dma_wait3A = arith.constant 0 : i32
        %dma_wait3A_81 = tpu.memref_slice %arg2[%dma_wait3A] : memref<9633792xi32, #tpu.memory_space<hbm>> -> memref<5376xi32, #tpu.memory_space<hbm>>
        %dma_wait3A_82 = arith.constant 0 : i32
        %dma_wait3A_83 = tpu.memref_slice %arg2[%dma_wait3A_82] : memref<9633792xi32, #tpu.memory_space<hbm>> -> memref<5376xi32, #tpu.memory_space<hbm>>
        tpu.wait_dma2 semaphore(%arg15 : memref<!tpu.dma_semaphore, #tpu.memory_space<semaphore_mem>>) src(%dma_wait3A_83 : memref<5376xi32, #tpu.memory_space<hbm>>) dst(%arg6 : memref<5376xi32, #tpu.memory_space<vmem>>)
        %dma_wait3A_84 = arith.constant 0 : i32
        %dma_wait3A_85 = tpu.memref_slice %arg3[%dma_wait3A_84] : memref<9633792xf32, #tpu.memory_space<hbm>> -> memref<5376xf32, #tpu.memory_space<hbm>>
        %dma_wait3A_86 = arith.constant 0 : i32
        %dma_wait3A_87 = tpu.memref_slice %arg3[%dma_wait3A_86] : memref<9633792xf32, #tpu.memory_space<hbm>> -> memref<5376xf32, #tpu.memory_space<hbm>>
        tpu.wait_dma2 semaphore(%arg15 : memref<!tpu.dma_semaphore, #tpu.memory_space<semaphore_mem>>) src(%dma_wait3A_87 : memref<5376xf32, #tpu.memory_space<hbm>>) dst(%arg7 : memref<5376xf32, #tpu.memory_space<vmem>>)
        %scan3A_88 = arith.constant 0 : i32
        %scan3A_89 = arith.constant 42 : i32
        %scan3A_90 = arith.addi %scan3A_88, %scan3A_89 : i32
        %scan3A_91 = arith.constant 1 : i32
        %scan3A_92:3 = scf.for %scan3A_117 = %scan3A_88 to %scan3A_90 step %scan3A_91 iter_args(%scan3A_118 = %scan3A_78, %scan3A_119 = %scan3A_79, %scan3A_120 = %scan3A_80) -> (i32, i32, i32)  : i32 {
          %mul3A_121 = arith.constant 128 : i32
          %mul3A_122 = arith.muli %scan3A_117, %mul3A_121 : i32
          %add3A_123 = arith.constant 0 : i32
          %add3A_124 = arith.addi %mul3A_122, %add3A_123 : i32
          %get3A = arith.index_cast %add3A_124 : i32 to index
          %get3A_125 = tpu.vector_load %arg6[%get3A] {strides = array<i32>} : memref<5376xi32, #tpu.memory_space<vmem>>, vector<16xi32>,
          %sub3A = vector.broadcast %mul3A_18 : i32 to vector<16xi32>
          %sub3A_126 = arith.subi %get3A_125, %sub3A : vector<16xi32>
          %get3A_127 = arith.index_cast %add3A_124 : i32 to index
          %get3A_128 = tpu.vector_load %arg7[%get3A_127] {strides = array<i32>} : memref<5376xf32, #tpu.memory_space<vmem>>, vector<16xf32>,
          %bitcast3A = vector.bitcast %sub3A_126 : vector<16xi32> to vector<16xi32>
          %lt3A_129 = arith.constant 1605632 : i32
          %lt3A_130 = vector.broadcast %lt3A_129 : i32 to vector<16xi32>
          %lt3A_131 = arith.cmpi ult, %bitcast3A, %lt3A_130 : vector<16xi32>
          %all_reduce_population_count3A = tpu.all_reduce %lt3A_131 {dim = 0 : i64, kind = #tpu.reduction_kind<sum>} : vector<16xi1> -> vector<16xi32>
          %slice3A = vector.extract_strided_slice %all_reduce_population_count3A {offsets = [0], sizes = [1], strides = [1]} : vector<16xi32> to vector<1xi32>
          %squeeze3A = vector.extract %slice3A[0] : i32 from vector<1xi32>
          %mul3A_132 = arith.constant 128 : i32
          %mul3A_133 = arith.muli %scan3A_117, %mul3A_132 : i32
          %add3A_134 = arith.constant 16 : i32
          %add3A_135 = arith.addi %mul3A_133, %add3A_134 : i32
          %get3A_136 = arith.index_cast %add3A_135 : i32 to index
          %get3A_137 = tpu.vector_load %arg6[%get3A_136] {strides = array<i32>} : memref<5376xi32, #tpu.memory_space<vmem>>, vector<16xi32>,
          %sub3A_138 = vector.broadcast %mul3A_18 : i32 to vector<16xi32>
          %sub3A_139 = arith.subi %get3A_137, %sub3A_138 : vector<16xi32>
          %get3A_140 = arith.index_cast %add3A_135 : i32 to index
          %get3A_141 = tpu.vector_load %arg7[%get3A_140] {strides = array<i32>} : memref<5376xf32, #tpu.memory_space<vmem>>, vector<16xf32>,
          %bitcast3A_142 = vector.bitcast %sub3A_139 : vector<16xi32> to vector<16xi32>
          %lt3A_143 = arith.constant 1605632 : i32
          %lt3A_144 = vector.broadcast %lt3A_143 : i32 to vector<16xi32>
          %lt3A_145 = arith.cmpi ult, %bitcast3A_142, %lt3A_144 : vector<16xi32>
          %all_reduce_population_count3A_146 = tpu.all_reduce %lt3A_145 {dim = 0 : i64, kind = #tpu.reduction_kind<sum>} : vector<16xi1> -> vector<16xi32>
          %slice3A_147 = vector.extract_strided_slice %all_reduce_population_count3A_146 {offsets = [0], sizes = [1], strides = [1]} : vector<16xi32> to vector<1xi32>
          %squeeze3A_148 = vector.extract %slice3A_147[0] : i32 from vector<1xi32>
          %mul3A_149 = arith.constant 128 : i32
          %mul3A_150 = arith.muli %scan3A_117, %mul3A_149 : i32
          %add3A_151 = arith.constant 32 : i32
          %add3A_152 = arith.addi %mul3A_150, %add3A_151 : i32
          %get3A_153 = arith.index_cast %add3A_152 : i32 to index
          %get3A_154 = tpu.vector_load %arg6[%get3A_153] {strides = array<i32>} : memref<5376xi32, #tpu.memory_space<vmem>>, vector<16xi32>,
          %sub3A_155 = vector.broadcast %mul3A_18 : i32 to vector<16xi32>
          %sub3A_156 = arith.subi %get3A_154, %sub3A_155 : vector<16xi32>
          %get3A_157 = arith.index_cast %add3A_152 : i32 to index
          %get3A_158 = tpu.vector_load %arg7[%get3A_157] {strides = array<i32>} : memref<5376xf32, #tpu.memory_space<vmem>>, vector<16xf32>,
          %bitcast3A_159 = vector.bitcast %sub3A_156 : vector<16xi32> to vector<16xi32>
          %lt3A_160 = arith.constant 1605632 : i32
          %lt3A_161 = vector.broadcast %lt3A_160 : i32 to vector<16xi32>
          %lt3A_162 = arith.cmpi ult, %bitcast3A_159, %lt3A_161 : vector<16xi32>
          %all_reduce_population_count3A_163 = tpu.all_reduce %lt3A_162 {dim = 0 : i64, kind = #tpu.reduction_kind<sum>} : vector<16xi1> -> vector<16xi32>
          %slice3A_164 = vector.extract_strided_slice %all_reduce_population_count3A_163 {offsets = [0], sizes = [1], strides = [1]} : vector<16xi32> to vector<1xi32>
          %squeeze3A_165 = vector.extract %slice3A_164[0] : i32 from vector<1xi32>
          %mul3A_166 = arith.constant 128 : i32
          %mul3A_167 = arith.muli %scan3A_117, %mul3A_166 : i32
          %add3A_168 = arith.constant 48 : i32
          %add3A_169 = arith.addi %mul3A_167, %add3A_168 : i32
          %get3A_170 = arith.index_cast %add3A_169 : i32 to index
          %get3A_171 = tpu.vector_load %arg6[%get3A_170] {strides = array<i32>} : memref<5376xi32, #tpu.memory_space<vmem>>, vector<16xi32>,
          %sub3A_172 = vector.broadcast %mul3A_18 : i32 to vector<16xi32>
          %sub3A_173 = arith.subi %get3A_171, %sub3A_172 : vector<16xi32>
          %get3A_174 = arith.index_cast %add3A_169 : i32 to index
          %get3A_175 = tpu.vector_load %arg7[%get3A_174] {strides = array<i32>} : memref<5376xf32, #tpu.memory_space<vmem>>, vector<16xf32>,
          %bitcast3A_176 = vector.bitcast %sub3A_173 : vector<16xi32> to vector<16xi32>
          %lt3A_177 = arith.constant 1605632 : i32
          %lt3A_178 = vector.broadcast %lt3A_177 : i32 to vector<16xi32>
          %lt3A_179 = arith.cmpi ult, %bitcast3A_176, %lt3A_178 : vector<16xi32>
          %all_reduce_population_count3A_180 = tpu.all_reduce %lt3A_179 {dim = 0 : i64, kind = #tpu.reduction_kind<sum>} : vector<16xi1> -> vector<16xi32>
          %slice3A_181 = vector.extract_strided_slice %all_reduce_population_count3A_180 {offsets = [0], sizes = [1], strides = [1]} : vector<16xi32> to vector<1xi32>
          %squeeze3A_182 = vector.extract %slice3A_181[0] : i32 from vector<1xi32>
          %mul3A_183 = arith.constant 128 : i32
          %mul3A_184 = arith.muli %scan3A_117, %mul3A_183 : i32
          %add3A_185 = arith.constant 64 : i32
          %add3A_186 = arith.addi %mul3A_184, %add3A_185 : i32
          %get3A_187 = arith.index_cast %add3A_186 : i32 to index
          %get3A_188 = tpu.vector_load %arg6[%get3A_187] {strides = array<i32>} : memref<5376xi32, #tpu.memory_space<vmem>>, vector<16xi32>,
          %sub3A_189 = vector.broadcast %mul3A_18 : i32 to vector<16xi32>
          %sub3A_190 = arith.subi %get3A_188, %sub3A_189 : vector<16xi32>
          %get3A_191 = arith.index_cast %add3A_186 : i32 to index
          %get3A_192 = tpu.vector_load %arg7[%get3A_191] {strides = array<i32>} : memref<5376xf32, #tpu.memory_space<vmem>>, vector<16xf32>,
          %bitcast3A_193 = vector.bitcast %sub3A_190 : vector<16xi32> to vector<16xi32>
          %lt3A_194 = arith.constant 1605632 : i32
          %lt3A_195 = vector.broadcast %lt3A_194 : i32 to vector<16xi32>
          %lt3A_196 = arith.cmpi ult, %bitcast3A_193, %lt3A_195 : vector<16xi32>
          %all_reduce_population_count3A_197 = tpu.all_reduce %lt3A_196 {dim = 0 : i64, kind = #tpu.reduction_kind<sum>} : vector<16xi1> -> vector<16xi32>
          %slice3A_198 = vector.extract_strided_slice %all_reduce_population_count3A_197 {offsets = [0], sizes = [1], strides = [1]} : vector<16xi32> to vector<1xi32>
          %squeeze3A_199 = vector.extract %slice3A_198[0] : i32 from vector<1xi32>
          %mul3A_200 = arith.constant 128 : i32
          %mul3A_201 = arith.muli %scan3A_117, %mul3A_200 : i32
          %add3A_202 = arith.constant 80 : i32
          %add3A_203 = arith.addi %mul3A_201, %add3A_202 : i32
          %get3A_204 = arith.index_cast %add3A_203 : i32 to index
          %get3A_205 = tpu.vector_load %arg6[%get3A_204] {strides = array<i32>} : memref<5376xi32, #tpu.memory_space<vmem>>, vector<16xi32>,
          %sub3A_206 = vector.broadcast %mul3A_18 : i32 to vector<16xi32>
          %sub3A_207 = arith.subi %get3A_205, %sub3A_206 : vector<16xi32>
          %get3A_208 = arith.index_cast %add3A_203 : i32 to index
          %get3A_209 = tpu.vector_load %arg7[%get3A_208] {strides = array<i32>} : memref<5376xf32, #tpu.memory_space<vmem>>, vector<16xf32>,
          %bitcast3A_210 = vector.bitcast %sub3A_207 : vector<16xi32> to vector<16xi32>
          %lt3A_211 = arith.constant 1605632 : i32
          %lt3A_212 = vector.broadcast %lt3A_211 : i32 to vector<16xi32>
          %lt3A_213 = arith.cmpi ult, %bitcast3A_210, %lt3A_212 : vector<16xi32>
          %all_reduce_population_count3A_214 = tpu.all_reduce %lt3A_213 {dim = 0 : i64, kind = #tpu.reduction_kind<sum>} : vector<16xi1> -> vector<16xi32>
          %slice3A_215 = vector.extract_strided_slice %all_reduce_population_count3A_214 {offsets = [0], sizes = [1], strides = [1]} : vector<16xi32> to vector<1xi32>
          %squeeze3A_216 = vector.extract %slice3A_215[0] : i32 from vector<1xi32>
          %mul3A_217 = arith.constant 128 : i32
          %mul3A_218 = arith.muli %scan3A_117, %mul3A_217 : i32
          %add3A_219 = arith.constant 96 : i32
          %add3A_220 = arith.addi %mul3A_218, %add3A_219 : i32
          %get3A_221 = arith.index_cast %add3A_220 : i32 to index
          %get3A_222 = tpu.vector_load %arg6[%get3A_221] {strides = array<i32>} : memref<5376xi32, #tpu.memory_space<vmem>>, vector<16xi32>,
          %sub3A_223 = vector.broadcast %mul3A_18 : i32 to vector<16xi32>
          %sub3A_224 = arith.subi %get3A_222, %sub3A_223 : vector<16xi32>
          %get3A_225 = arith.index_cast %add3A_220 : i32 to index
          %get3A_226 = tpu.vector_load %arg7[%get3A_225] {strides = array<i32>} : memref<5376xf32, #tpu.memory_space<vmem>>, vector<16xf32>,
          %bitcast3A_227 = vector.bitcast %sub3A_224 : vector<16xi32> to vector<16xi32>
          %lt3A_228 = arith.constant 1605632 : i32
          %lt3A_229 = vector.broadcast %lt3A_228 : i32 to vector<16xi32>
          %lt3A_230 = arith.cmpi ult, %bitcast3A_227, %lt3A_229 : vector<16xi32>
          %all_reduce_population_count3A_231 = tpu.all_reduce %lt3A_230 {dim = 0 : i64, kind = #tpu.reduction_kind<sum>} : vector<16xi1> -> vector<16xi32>
          %slice3A_232 = vector.extract_strided_slice %all_reduce_population_count3A_231 {offsets = [0], sizes = [1], strides = [1]} : vector<16xi32> to vector<1xi32>
          %squeeze3A_233 = vector.extract %slice3A_232[0] : i32 from vector<1xi32>
          %mul3A_234 = arith.constant 128 : i32
          %mul3A_235 = arith.muli %scan3A_117, %mul3A_234 : i32
          %add3A_236 = arith.constant 112 : i32
          %add3A_237 = arith.addi %mul3A_235, %add3A_236 : i32
          %get3A_238 = arith.index_cast %add3A_237 : i32 to index
          %get3A_239 = tpu.vector_load %arg6[%get3A_238] {strides = array<i32>} : memref<5376xi32, #tpu.memory_space<vmem>>, vector<16xi32>,
          %sub3A_240 = vector.broadcast %mul3A_18 : i32 to vector<16xi32>
          %sub3A_241 = arith.subi %get3A_239, %sub3A_240 : vector<16xi32>
          %get3A_242 = arith.index_cast %add3A_237 : i32 to index
          %get3A_243 = tpu.vector_load %arg7[%get3A_242] {strides = array<i32>} : memref<5376xf32, #tpu.memory_space<vmem>>, vector<16xf32>,
          %bitcast3A_244 = vector.bitcast %sub3A_241 : vector<16xi32> to vector<16xi32>
          %lt3A_245 = arith.constant 1605632 : i32
          %lt3A_246 = vector.broadcast %lt3A_245 : i32 to vector<16xi32>
          %lt3A_247 = arith.cmpi ult, %bitcast3A_244, %lt3A_246 : vector<16xi32>
          %all_reduce_population_count3A_248 = tpu.all_reduce %lt3A_247 {dim = 0 : i64, kind = #tpu.reduction_kind<sum>} : vector<16xi1> -> vector<16xi32>
          %slice3A_249 = vector.extract_strided_slice %all_reduce_population_count3A_248 {offsets = [0], sizes = [1], strides = [1]} : vector<16xi32> to vector<1xi32>
          %squeeze3A_250 = vector.extract %slice3A_249[0] : i32 from vector<1xi32>
          %add3A_251 = arith.addi %scan3A_118, %squeeze3A : i32
          %add3A_252 = arith.addi %add3A_251, %squeeze3A_148 : i32
          %add3A_253 = arith.addi %add3A_252, %squeeze3A_165 : i32
          %add3A_254 = arith.addi %add3A_253, %squeeze3A_182 : i32
          %add3A_255 = arith.addi %add3A_254, %squeeze3A_199 : i32
          %add3A_256 = arith.addi %add3A_255, %squeeze3A_216 : i32
          %add3A_257 = arith.addi %add3A_256, %squeeze3A_233 : i32
          %add3A_258 = arith.addi %add3A_257, %squeeze3A_250 : i32
          %swap3A = arith.index_cast %scan3A_118 : i32 to index
          %swap3A_259 = tpu.vector_load %arg12[%swap3A] masked %lt3A_131 {strides = array<i32>} : memref<256xi32, #tpu.memory_space<vmem>>, vector<16xi32>, vector<16xi1>
          tpu.vector_store %arg12[%swap3A], %sub3A_126 masked %lt3A_131 {strides = array<i32>} : memref<256xi32, #tpu.memory_space<vmem>>, vector<16xi32>, vector<16xi1>
          %swap3A_260 = arith.index_cast %scan3A_118 : i32 to index
          %swap3A_261 = tpu.vector_load %arg13[%swap3A_260] masked %lt3A_131 {strides = array<i32>} : memref<256xf32, #tpu.memory_space<vmem>>, vector<16xf32>, vector<16xi1>
          tpu.vector_store %arg13[%swap3A_260], %get3A_128 masked %lt3A_131 {strides = array<i32>} : memref<256xf32, #tpu.memory_space<vmem>>, vector<16xf32>, vector<16xi1>
          %swap3A_262 = arith.index_cast %add3A_251 : i32 to index
          %swap3A_263 = tpu.vector_load %arg12[%swap3A_262] masked %lt3A_145 {strides = array<i32>} : memref<256xi32, #tpu.memory_space<vmem>>, vector<16xi32>, vector<16xi1>
          tpu.vector_store %arg12[%swap3A_262], %sub3A_139 masked %lt3A_145 {strides = array<i32>} : memref<256xi32, #tpu.memory_space<vmem>>, vector<16xi32>, vector<16xi1>
          %swap3A_264 = arith.index_cast %add3A_251 : i32 to index
          %swap3A_265 = tpu.vector_load %arg13[%swap3A_264] masked %lt3A_145 {strides = array<i32>} : memref<256xf32, #tpu.memory_space<vmem>>, vector<16xf32>, vector<16xi1>
          tpu.vector_store %arg13[%swap3A_264], %get3A_141 masked %lt3A_145 {strides = array<i32>} : memref<256xf32, #tpu.memory_space<vmem>>, vector<16xf32>, vector<16xi1>
          %swap3A_266 = arith.index_cast %add3A_252 : i32 to index
          %swap3A_267 = tpu.vector_load %arg12[%swap3A_266] masked %lt3A_162 {strides = array<i32>} : memref<256xi32, #tpu.memory_space<vmem>>, vector<16xi32>, vector<16xi1>
          tpu.vector_store %arg12[%swap3A_266], %sub3A_156 masked %lt3A_162 {strides = array<i32>} : memref<256xi32, #tpu.memory_space<vmem>>, vector<16xi32>, vector<16xi1>
          %swap3A_268 = arith.index_cast %add3A_252 : i32 to index
          %swap3A_269 = tpu.vector_load %arg13[%swap3A_268] masked %lt3A_162 {strides = array<i32>} : memref<256xf32, #tpu.memory_space<vmem>>, vector<16xf32>, vector<16xi1>
          tpu.vector_store %arg13[%swap3A_268], %get3A_158 masked %lt3A_162 {strides = array<i32>} : memref<256xf32, #tpu.memory_space<vmem>>, vector<16xf32>, vector<16xi1>
          %swap3A_270 = arith.index_cast %add3A_253 : i32 to index
          %swap3A_271 = tpu.vector_load %arg12[%swap3A_270] masked %lt3A_179 {strides = array<i32>} : memref<256xi32, #tpu.memory_space<vmem>>, vector<16xi32>, vector<16xi1>
          tpu.vector_store %arg12[%swap3A_270], %sub3A_173 masked %lt3A_179 {strides = array<i32>} : memref<256xi32, #tpu.memory_space<vmem>>, vector<16xi32>, vector<16xi1>
          %swap3A_272 = arith.index_cast %add3A_253 : i32 to index
          %swap3A_273 = tpu.vector_load %arg13[%swap3A_272] masked %lt3A_179 {strides = array<i32>} : memref<256xf32, #tpu.memory_space<vmem>>, vector<16xf32>, vector<16xi1>
          tpu.vector_store %arg13[%swap3A_272], %get3A_175 masked %lt3A_179 {strides = array<i32>} : memref<256xf32, #tpu.memory_space<vmem>>, vector<16xf32>, vector<16xi1>
          %swap3A_274 = arith.index_cast %add3A_254 : i32 to index
          %swap3A_275 = tpu.vector_load %arg12[%swap3A_274] masked %lt3A_196 {strides = array<i32>} : memref<256xi32, #tpu.memory_space<vmem>>, vector<16xi32>, vector<16xi1>
          tpu.vector_store %arg12[%swap3A_274], %sub3A_190 masked %lt3A_196 {strides = array<i32>} : memref<256xi32, #tpu.memory_space<vmem>>, vector<16xi32>, vector<16xi1>
          %swap3A_276 = arith.index_cast %add3A_254 : i32 to index
          %swap3A_277 = tpu.vector_load %arg13[%swap3A_276] masked %lt3A_196 {strides = array<i32>} : memref<256xf32, #tpu.memory_space<vmem>>, vector<16xf32>, vector<16xi1>
          tpu.vector_store %arg13[%swap3A_276], %get3A_192 masked %lt3A_196 {strides = array<i32>} : memref<256xf32, #tpu.memory_space<vmem>>, vector<16xf32>, vector<16xi1>
          %swap3A_278 = arith.index_cast %add3A_255 : i32 to index
          %swap3A_279 = tpu.vector_load %arg12[%swap3A_278] masked %lt3A_213 {strides = array<i32>} : memref<256xi32, #tpu.memory_space<vmem>>, vector<16xi32>, vector<16xi1>
          tpu.vector_store %arg12[%swap3A_278], %sub3A_207 masked %lt3A_213 {strides = array<i32>} : memref<256xi32, #tpu.memory_space<vmem>>, vector<16xi32>, vector<16xi1>
          %swap3A_280 = arith.index_cast %add3A_255 : i32 to index
          %swap3A_281 = tpu.vector_load %arg13[%swap3A_280] masked %lt3A_213 {strides = array<i32>} : memref<256xf32, #tpu.memory_space<vmem>>, vector<16xf32>, vector<16xi1>
          tpu.vector_store %arg13[%swap3A_280], %get3A_209 masked %lt3A_213 {strides = array<i32>} : memref<256xf32, #tpu.memory_space<vmem>>, vector<16xf32>, vector<16xi1>
          %swap3A_282 = arith.index_cast %add3A_256 : i32 to index
          %swap3A_283 = tpu.vector_load %arg12[%swap3A_282] masked %lt3A_230 {strides = array<i32>} : memref<256xi32, #tpu.memory_space<vmem>>, vector<16xi32>, vector<16xi1>
          tpu.vector_store %arg12[%swap3A_282], %sub3A_224 masked %lt3A_230 {strides = array<i32>} : memref<256xi32, #tpu.memory_space<vmem>>, vector<16xi32>, vector<16xi1>
          %swap3A_284 = arith.index_cast %add3A_256 : i32 to index
          %swap3A_285 = tpu.vector_load %arg13[%swap3A_284] masked %lt3A_230 {strides = array<i32>} : memref<256xf32, #tpu.memory_space<vmem>>, vector<16xf32>, vector<16xi1>
          tpu.vector_store %arg13[%swap3A_284], %get3A_226 masked %lt3A_230 {strides = array<i32>} : memref<256xf32, #tpu.memory_space<vmem>>, vector<16xf32>, vector<16xi1>
          %swap3A_286 = arith.index_cast %add3A_257 : i32 to index
          %swap3A_287 = tpu.vector_load %arg12[%swap3A_286] masked %lt3A_247 {strides = array<i32>} : memref<256xi32, #tpu.memory_space<vmem>>, vector<16xi32>, vector<16xi1>
          tpu.vector_store %arg12[%swap3A_286], %sub3A_241 masked %lt3A_247 {strides = array<i32>} : memref<256xi32, #tpu.memory_space<vmem>>, vector<16xi32>, vector<16xi1>
          %swap3A_288 = arith.index_cast %add3A_257 : i32 to index
          %swap3A_289 = tpu.vector_load %arg13[%swap3A_288] masked %lt3A_247 {strides = array<i32>} : memref<256xf32, #tpu.memory_space<vmem>>, vector<16xf32>, vector<16xi1>
          tpu.vector_store %arg13[%swap3A_288], %get3A_243 masked %lt3A_247 {strides = array<i32>} : memref<256xf32, #tpu.memory_space<vmem>>, vector<16xf32>, vector<16xi1>
          %ge3A = arith.constant 128 : i32
          %ge3A_290 = arith.cmpi sge, %add3A_258, %ge3A : i32
          %convert_element_type3A_291 = arith.extui %ge3A_290 : i1 to i32
          %cond3A_292 = arith.constant 0 : i32
          %cond3A_293 = arith.cmpi ne, %convert_element_type3A_291, %cond3A_292 : i32
          scf.if %cond3A_293 {
            %and3A_307 = arith.constant 15 : i32
            %and3A_308 = arith.andi %scan3A_119, %and3A_307 : i32
            %get3A_309 = arith.constant 0 : index
            %get3A_310 = tpu.vector_load %arg12[%get3A_309] {strides = array<i32>} : memref<256xi32, #tpu.memory_space<vmem>>, vector<16xi32>,
            %swap3A_311 = arith.index_cast %and3A_308 : i32 to index
            %swap3A_312 = arith.constant 0 : index
            %swap3A_313 = tpu.vector_load %arg10[%swap3A_311, %swap3A_312] {strides = array<i32>} : memref<16x128xi32, #tpu.memory_space<vmem>>, vector<16xi32>,
            tpu.vector_store %arg10[%swap3A_311, %swap3A_312], %get3A_310 {strides = array<i32>} : memref<16x128xi32, #tpu.memory_space<vmem>>, vector<16xi32>,
            %get3A_314 = arith.constant 0 : index
            %get3A_315 = tpu.vector_load %arg13[%get3A_314] {strides = array<i32>} : memref<256xf32, #tpu.memory_space<vmem>>, vector<16xf32>,
            %swap3A_316 = arith.index_cast %and3A_308 : i32 to index
            %swap3A_317 = arith.constant 0 : index
            %swap3A_318 = tpu.vector_load %arg11[%swap3A_316, %swap3A_317] {strides = array<i32>} : memref<16x128xf32, #tpu.memory_space<vmem>>, vector<16xf32>,
            tpu.vector_store %arg11[%swap3A_316, %swap3A_317], %get3A_315 {strides = array<i32>} : memref<16x128xf32, #tpu.memory_space<vmem>>, vector<16xf32>,
            %get3A_319 = arith.constant 16 : index
            %get3A_320 = tpu.vector_load %arg12[%get3A_319] {strides = array<i32>} : memref<256xi32, #tpu.memory_space<vmem>>, vector<16xi32>,
            %swap3A_321 = arith.index_cast %and3A_308 : i32 to index
            %swap3A_322 = arith.constant 16 : index
            %swap3A_323 = tpu.vector_load %arg10[%swap3A_321, %swap3A_322] {strides = array<i32>} : memref<16x128xi32, #tpu.memory_space<vmem>>, vector<16xi32>,
            tpu.vector_store %arg10[%swap3A_321, %swap3A_322], %get3A_320 {strides = array<i32>} : memref<16x128xi32, #tpu.memory_space<vmem>>, vector<16xi32>,
            %get3A_324 = arith.constant 16 : index
            %get3A_325 = tpu.vector_load %arg13[%get3A_324] {strides = array<i32>} : memref<256xf32, #tpu.memory_space<vmem>>, vector<16xf32>,
            %swap3A_326 = arith.index_cast %and3A_308 : i32 to index
            %swap3A_327 = arith.constant 16 : index
            %swap3A_328 = tpu.vector_load %arg11[%swap3A_326, %swap3A_327] {strides = array<i32>} : memref<16x128xf32, #tpu.memory_space<vmem>>, vector<16xf32>,
            tpu.vector_store %arg11[%swap3A_326, %swap3A_327], %get3A_325 {strides = array<i32>} : memref<16x128xf32, #tpu.memory_space<vmem>>, vector<16xf32>,
            %get3A_329 = arith.constant 32 : index
            %get3A_330 = tpu.vector_load %arg12[%get3A_329] {strides = array<i32>} : memref<256xi32, #tpu.memory_space<vmem>>, vector<16xi32>,
            %swap3A_331 = arith.index_cast %and3A_308 : i32 to index
            %swap3A_332 = arith.constant 32 : index
            %swap3A_333 = tpu.vector_load %arg10[%swap3A_331, %swap3A_332] {strides = array<i32>} : memref<16x128xi32, #tpu.memory_space<vmem>>, vector<16xi32>,
            tpu.vector_store %arg10[%swap3A_331, %swap3A_332], %get3A_330 {strides = array<i32>} : memref<16x128xi32, #tpu.memory_space<vmem>>, vector<16xi32>,
            %get3A_334 = arith.constant 32 : index
            %get3A_335 = tpu.vector_load %arg13[%get3A_334] {strides = array<i32>} : memref<256xf32, #tpu.memory_space<vmem>>, vector<16xf32>,
            %swap3A_336 = arith.index_cast %and3A_308 : i32 to index
            %swap3A_337 = arith.constant 32 : index
            %swap3A_338 = tpu.vector_load %arg11[%swap3A_336, %swap3A_337] {strides = array<i32>} : memref<16x128xf32, #tpu.memory_space<vmem>>, vector<16xf32>,
            tpu.vector_store %arg11[%swap3A_336, %swap3A_337], %get3A_335 {strides = array<i32>} : memref<16x128xf32, #tpu.memory_space<vmem>>, vector<16xf32>,
            %get3A_339 = arith.constant 48 : index
            %get3A_340 = tpu.vector_load %arg12[%get3A_339] {strides = array<i32>} : memref<256xi32, #tpu.memory_space<vmem>>, vector<16xi32>,
            %swap3A_341 = arith.index_cast %and3A_308 : i32 to index
            %swap3A_342 = arith.constant 48 : index
            %swap3A_343 = tpu.vector_load %arg10[%swap3A_341, %swap3A_342] {strides = array<i32>} : memref<16x128xi32, #tpu.memory_space<vmem>>, vector<16xi32>,
            tpu.vector_store %arg10[%swap3A_341, %swap3A_342], %get3A_340 {strides = array<i32>} : memref<16x128xi32, #tpu.memory_space<vmem>>, vector<16xi32>,
            %get3A_344 = arith.constant 48 : index
            %get3A_345 = tpu.vector_load %arg13[%get3A_344] {strides = array<i32>} : memref<256xf32, #tpu.memory_space<vmem>>, vector<16xf32>,
            %swap3A_346 = arith.index_cast %and3A_308 : i32 to index
            %swap3A_347 = arith.constant 48 : index
            %swap3A_348 = tpu.vector_load %arg11[%swap3A_346, %swap3A_347] {strides = array<i32>} : memref<16x128xf32, #tpu.memory_space<vmem>>, vector<16xf32>,
            tpu.vector_store %arg11[%swap3A_346, %swap3A_347], %get3A_345 {strides = array<i32>} : memref<16x128xf32, #tpu.memory_space<vmem>>, vector<16xf32>,
            %get3A_349 = arith.constant 64 : index
            %get3A_350 = tpu.vector_load %arg12[%get3A_349] {strides = array<i32>} : memref<256xi32, #tpu.memory_space<vmem>>, vector<16xi32>,
            %swap3A_351 = arith.index_cast %and3A_308 : i32 to index
            %swap3A_352 = arith.constant 64 : index
            %swap3A_353 = tpu.vector_load %arg10[%swap3A_351, %swap3A_352] {strides = array<i32>} : memref<16x128xi32, #tpu.memory_space<vmem>>, vector<16xi32>,
            tpu.vector_store %arg10[%swap3A_351, %swap3A_352], %get3A_350 {strides = array<i32>} : memref<16x128xi32, #tpu.memory_space<vmem>>, vector<16xi32>,
            %get3A_354 = arith.constant 64 : index
            %get3A_355 = tpu.vector_load %arg13[%get3A_354] {strides = array<i32>} : memref<256xf32, #tpu.memory_space<vmem>>, vector<16xf32>,
            %swap3A_356 = arith.index_cast %and3A_308 : i32 to index
            %swap3A_357 = arith.constant 64 : index
            %swap3A_358 = tpu.vector_load %arg11[%swap3A_356, %swap3A_357] {strides = array<i32>} : memref<16x128xf32, #tpu.memory_space<vmem>>, vector<16xf32>,
            tpu.vector_store %arg11[%swap3A_356, %swap3A_357], %get3A_355 {strides = array<i32>} : memref<16x128xf32, #tpu.memory_space<vmem>>, vector<16xf32>,
            %get3A_359 = arith.constant 80 : index
            %get3A_360 = tpu.vector_load %arg12[%get3A_359] {strides = array<i32>} : memref<256xi32, #tpu.memory_space<vmem>>, vector<16xi32>,
            %swap3A_361 = arith.index_cast %and3A_308 : i32 to index
            %swap3A_362 = arith.constant 80 : index
            %swap3A_363 = tpu.vector_load %arg10[%swap3A_361, %swap3A_362] {strides = array<i32>} : memref<16x128xi32, #tpu.memory_space<vmem>>, vector<16xi32>,
            tpu.vector_store %arg10[%swap3A_361, %swap3A_362], %get3A_360 {strides = array<i32>} : memref<16x128xi32, #tpu.memory_space<vmem>>, vector<16xi32>,
            %get3A_364 = arith.constant 80 : index
            %get3A_365 = tpu.vector_load %arg13[%get3A_364] {strides = array<i32>} : memref<256xf32, #tpu.memory_space<vmem>>, vector<16xf32>,
            %swap3A_366 = arith.index_cast %and3A_308 : i32 to index
            %swap3A_367 = arith.constant 80 : index
            %swap3A_368 = tpu.vector_load %arg11[%swap3A_366, %swap3A_367] {strides = array<i32>} : memref<16x128xf32, #tpu.memory_space<vmem>>, vector<16xf32>,
            tpu.vector_store %arg11[%swap3A_366, %swap3A_367], %get3A_365 {strides = array<i32>} : memref<16x128xf32, #tpu.memory_space<vmem>>, vector<16xf32>,
            %get3A_369 = arith.constant 96 : index
            %get3A_370 = tpu.vector_load %arg12[%get3A_369] {strides = array<i32>} : memref<256xi32, #tpu.memory_space<vmem>>, vector<16xi32>,
            %swap3A_371 = arith.index_cast %and3A_308 : i32 to index
            %swap3A_372 = arith.constant 96 : index
            %swap3A_373 = tpu.vector_load %arg10[%swap3A_371, %swap3A_372] {strides = array<i32>} : memref<16x128xi32, #tpu.memory_space<vmem>>, vector<16xi32>,
            tpu.vector_store %arg10[%swap3A_371, %swap3A_372], %get3A_370 {strides = array<i32>} : memref<16x128xi32, #tpu.memory_space<vmem>>, vector<16xi32>,
            %get3A_374 = arith.constant 96 : index
            %get3A_375 = tpu.vector_load %arg13[%get3A_374] {strides = array<i32>} : memref<256xf32, #tpu.memory_space<vmem>>, vector<16xf32>,
            %swap3A_376 = arith.index_cast %and3A_308 : i32 to index
            %swap3A_377 = arith.constant 96 : index
            %swap3A_378 = tpu.vector_load %arg11[%swap3A_376, %swap3A_377] {strides = array<i32>} : memref<16x128xf32, #tpu.memory_space<vmem>>, vector<16xf32>,
            tpu.vector_store %arg11[%swap3A_376, %swap3A_377], %get3A_375 {strides = array<i32>} : memref<16x128xf32, #tpu.memory_space<vmem>>, vector<16xf32>,
            %get3A_379 = arith.constant 112 : index
            %get3A_380 = tpu.vector_load %arg12[%get3A_379] {strides = array<i32>} : memref<256xi32, #tpu.memory_space<vmem>>, vector<16xi32>,
            %swap3A_381 = arith.index_cast %and3A_308 : i32 to index
            %swap3A_382 = arith.constant 112 : index
            %swap3A_383 = tpu.vector_load %arg10[%swap3A_381, %swap3A_382] {strides = array<i32>} : memref<16x128xi32, #tpu.memory_space<vmem>>, vector<16xi32>,
            tpu.vector_store %arg10[%swap3A_381, %swap3A_382], %get3A_380 {strides = array<i32>} : memref<16x128xi32, #tpu.memory_space<vmem>>, vector<16xi32>,
            %get3A_384 = arith.constant 112 : index
            %get3A_385 = tpu.vector_load %arg13[%get3A_384] {strides = array<i32>} : memref<256xf32, #tpu.memory_space<vmem>>, vector<16xf32>,
            %swap3A_386 = arith.index_cast %and3A_308 : i32 to index
            %swap3A_387 = arith.constant 112 : index
            %swap3A_388 = tpu.vector_load %arg11[%swap3A_386, %swap3A_387] {strides = array<i32>} : memref<16x128xf32, #tpu.memory_space<vmem>>, vector<16xf32>,
            tpu.vector_store %arg11[%swap3A_386, %swap3A_387], %get3A_385 {strides = array<i32>} : memref<16x128xf32, #tpu.memory_space<vmem>>, vector<16xf32>,
            %get3A_389 = arith.constant 128 : index
            %get3A_390 = tpu.vector_load %arg12[%get3A_389] {strides = array<i32>} : memref<256xi32, #tpu.memory_space<vmem>>, vector<16xi32>,
            %swap3A_391 = arith.constant 0 : index
            %swap3A_392 = tpu.vector_load %arg12[%swap3A_391] {strides = array<i32>} : memref<256xi32, #tpu.memory_space<vmem>>, vector<16xi32>,
            tpu.vector_store %arg12[%swap3A_391], %get3A_390 {strides = array<i32>} : memref<256xi32, #tpu.memory_space<vmem>>, vector<16xi32>,
            %get3A_393 = arith.constant 128 : index
            %get3A_394 = tpu.vector_load %arg13[%get3A_393] {strides = array<i32>} : memref<256xf32, #tpu.memory_space<vmem>>, vector<16xf32>,
            %swap3A_395 = arith.constant 0 : index
            %swap3A_396 = tpu.vector_load %arg13[%swap3A_395] {strides = array<i32>} : memref<256xf32, #tpu.memory_space<vmem>>, vector<16xf32>,
            tpu.vector_store %arg13[%swap3A_395], %get3A_394 {strides = array<i32>} : memref<256xf32, #tpu.memory_space<vmem>>, vector<16xf32>,
            %get3A_397 = arith.constant 144 : index
            %get3A_398 = tpu.vector_load %arg12[%get3A_397] {strides = array<i32>} : memref<256xi32, #tpu.memory_space<vmem>>, vector<16xi32>,
            %swap3A_399 = arith.constant 16 : index
            %swap3A_400 = tpu.vector_load %arg12[%swap3A_399] {strides = array<i32>} : memref<256xi32, #tpu.memory_space<vmem>>, vector<16xi32>,
            tpu.vector_store %arg12[%swap3A_399], %get3A_398 {strides = array<i32>} : memref<256xi32, #tpu.memory_space<vmem>>, vector<16xi32>,
            %get3A_401 = arith.constant 144 : index
            %get3A_402 = tpu.vector_load %arg13[%get3A_401] {strides = array<i32>} : memref<256xf32, #tpu.memory_space<vmem>>, vector<16xf32>,
            %swap3A_403 = arith.constant 16 : index
            %swap3A_404 = tpu.vector_load %arg13[%swap3A_403] {strides = array<i32>} : memref<256xf32, #tpu.memory_space<vmem>>, vector<16xf32>,
            tpu.vector_store %arg13[%swap3A_403], %get3A_402 {strides = array<i32>} : memref<256xf32, #tpu.memory_space<vmem>>, vector<16xf32>,
            %get3A_405 = arith.constant 160 : index
            %get3A_406 = tpu.vector_load %arg12[%get3A_405] {strides = array<i32>} : memref<256xi32, #tpu.memory_space<vmem>>, vector<16xi32>,
            %swap3A_407 = arith.constant 32 : index
            %swap3A_408 = tpu.vector_load %arg12[%swap3A_407] {strides = array<i32>} : memref<256xi32, #tpu.memory_space<vmem>>, vector<16xi32>,
            tpu.vector_store %arg12[%swap3A_407], %get3A_406 {strides = array<i32>} : memref<256xi32, #tpu.memory_space<vmem>>, vector<16xi32>,
            %get3A_409 = arith.constant 160 : index
            %get3A_410 = tpu.vector_load %arg13[%get3A_409] {strides = array<i32>} : memref<256xf32, #tpu.memory_space<vmem>>, vector<16xf32>,
            %swap3A_411 = arith.constant 32 : index
            %swap3A_412 = tpu.vector_load %arg13[%swap3A_411] {strides = array<i32>} : memref<256xf32, #tpu.memory_space<vmem>>, vector<16xf32>,
            tpu.vector_store %arg13[%swap3A_411], %get3A_410 {strides = array<i32>} : memref<256xf32, #tpu.memory_space<vmem>>, vector<16xf32>,
            %get3A_413 = arith.constant 176 : index
            %get3A_414 = tpu.vector_load %arg12[%get3A_413] {strides = array<i32>} : memref<256xi32, #tpu.memory_space<vmem>>, vector<16xi32>,
            %swap3A_415 = arith.constant 48 : index
            %swap3A_416 = tpu.vector_load %arg12[%swap3A_415] {strides = array<i32>} : memref<256xi32, #tpu.memory_space<vmem>>, vector<16xi32>,
            tpu.vector_store %arg12[%swap3A_415], %get3A_414 {strides = array<i32>} : memref<256xi32, #tpu.memory_space<vmem>>, vector<16xi32>,
            %get3A_417 = arith.constant 176 : index
            %get3A_418 = tpu.vector_load %arg13[%get3A_417] {strides = array<i32>} : memref<256xf32, #tpu.memory_space<vmem>>, vector<16xf32>,
            %swap3A_419 = arith.constant 48 : index
            %swap3A_420 = tpu.vector_load %arg13[%swap3A_419] {strides = array<i32>} : memref<256xf32, #tpu.memory_space<vmem>>, vector<16xf32>,
            tpu.vector_store %arg13[%swap3A_419], %get3A_418 {strides = array<i32>} : memref<256xf32, #tpu.memory_space<vmem>>, vector<16xf32>,
            %get3A_421 = arith.constant 192 : index
            %get3A_422 = tpu.vector_load %arg12[%get3A_421] {strides = array<i32>} : memref<256xi32, #tpu.memory_space<vmem>>, vector<16xi32>,
            %swap3A_423 = arith.constant 64 : index
            %swap3A_424 = tpu.vector_load %arg12[%swap3A_423] {strides = array<i32>} : memref<256xi32, #tpu.memory_space<vmem>>, vector<16xi32>,
            tpu.vector_store %arg12[%swap3A_423], %get3A_422 {strides = array<i32>} : memref<256xi32, #tpu.memory_space<vmem>>, vector<16xi32>,
            %get3A_425 = arith.constant 192 : index
            %get3A_426 = tpu.vector_load %arg13[%get3A_425] {strides = array<i32>} : memref<256xf32, #tpu.memory_space<vmem>>, vector<16xf32>,
            %swap3A_427 = arith.constant 64 : index
            %swap3A_428 = tpu.vector_load %arg13[%swap3A_427] {strides = array<i32>} : memref<256xf32, #tpu.memory_space<vmem>>, vector<16xf32>,
            tpu.vector_store %arg13[%swap3A_427], %get3A_426 {strides = array<i32>} : memref<256xf32, #tpu.memory_space<vmem>>, vector<16xf32>,
            %get3A_429 = arith.constant 208 : index
            %get3A_430 = tpu.vector_load %arg12[%get3A_429] {strides = array<i32>} : memref<256xi32, #tpu.memory_space<vmem>>, vector<16xi32>,
            %swap3A_431 = arith.constant 80 : index
            %swap3A_432 = tpu.vector_load %arg12[%swap3A_431] {strides = array<i32>} : memref<256xi32, #tpu.memory_space<vmem>>, vector<16xi32>,
            tpu.vector_store %arg12[%swap3A_431], %get3A_430 {strides = array<i32>} : memref<256xi32, #tpu.memory_space<vmem>>, vector<16xi32>,
            %get3A_433 = arith.constant 208 : index
            %get3A_434 = tpu.vector_load %arg13[%get3A_433] {strides = array<i32>} : memref<256xf32, #tpu.memory_space<vmem>>, vector<16xf32>,
            %swap3A_435 = arith.constant 80 : index
            %swap3A_436 = tpu.vector_load %arg13[%swap3A_435] {strides = array<i32>} : memref<256xf32, #tpu.memory_space<vmem>>, vector<16xf32>,
            tpu.vector_store %arg13[%swap3A_435], %get3A_434 {strides = array<i32>} : memref<256xf32, #tpu.memory_space<vmem>>, vector<16xf32>,
            %get3A_437 = arith.constant 224 : index
            %get3A_438 = tpu.vector_load %arg12[%get3A_437] {strides = array<i32>} : memref<256xi32, #tpu.memory_space<vmem>>, vector<16xi32>,
            %swap3A_439 = arith.constant 96 : index
            %swap3A_440 = tpu.vector_load %arg12[%swap3A_439] {strides = array<i32>} : memref<256xi32, #tpu.memory_space<vmem>>, vector<16xi32>,
            tpu.vector_store %arg12[%swap3A_439], %get3A_438 {strides = array<i32>} : memref<256xi32, #tpu.memory_space<vmem>>, vector<16xi32>,
            %get3A_441 = arith.constant 224 : index
            %get3A_442 = tpu.vector_load %arg13[%get3A_441] {strides = array<i32>} : memref<256xf32, #tpu.memory_space<vmem>>, vector<16xf32>,
            %swap3A_443 = arith.constant 96 : index
            %swap3A_444 = tpu.vector_load %arg13[%swap3A_443] {strides = array<i32>} : memref<256xf32, #tpu.memory_space<vmem>>, vector<16xf32>,
            tpu.vector_store %arg13[%swap3A_443], %get3A_442 {strides = array<i32>} : memref<256xf32, #tpu.memory_space<vmem>>, vector<16xf32>,
            %get3A_445 = arith.constant 240 : index
            %get3A_446 = tpu.vector_load %arg12[%get3A_445] {strides = array<i32>} : memref<256xi32, #tpu.memory_space<vmem>>, vector<16xi32>,
            %swap3A_447 = arith.constant 112 : index
            %swap3A_448 = tpu.vector_load %arg12[%swap3A_447] {strides = array<i32>} : memref<256xi32, #tpu.memory_space<vmem>>, vector<16xi32>,
            tpu.vector_store %arg12[%swap3A_447], %get3A_446 {strides = array<i32>} : memref<256xi32, #tpu.memory_space<vmem>>, vector<16xi32>,
            %get3A_449 = arith.constant 240 : index
            %get3A_450 = tpu.vector_load %arg13[%get3A_449] {strides = array<i32>} : memref<256xf32, #tpu.memory_space<vmem>>, vector<16xf32>,
            %swap3A_451 = arith.constant 112 : index
            %swap3A_452 = tpu.vector_load %arg13[%swap3A_451] {strides = array<i32>} : memref<256xf32, #tpu.memory_space<vmem>>, vector<16xf32>,
            tpu.vector_store %arg13[%swap3A_451], %get3A_450 {strides = array<i32>} : memref<256xf32, #tpu.memory_space<vmem>>, vector<16xf32>,
            %dma_start3A_453 = arith.constant 0 : i32
            %dma_start3A_454 = tpu.memref_slice %arg11[%and3A_308, %dma_start3A_453] : memref<16x128xf32, #tpu.memory_space<vmem>> -> memref<1x128xf32, #tpu.memory_space<vmem>>
            %dma_start3A_455 = tpu.memref_squeeze %dma_start3A_454 : memref<1x128xf32, #tpu.memory_space<vmem>> -> memref<128xf32, #tpu.memory_space<vmem>>
            %dma_start3A_456 = arith.constant 0 : i32
            %dma_start3A_457 = tpu.memref_slice %arg10[%and3A_308, %dma_start3A_456] : memref<16x128xi32, #tpu.memory_space<vmem>> -> memref<1x128xi32, #tpu.memory_space<vmem>>
            %dma_start3A_458 = tpu.memref_squeeze %dma_start3A_457 : memref<1x128xi32, #tpu.memory_space<vmem>> -> memref<128xi32, #tpu.memory_space<vmem>>
            %dma_start3A_459 = arith.constant 0 : i32
            %dma_start3A_460 = tpu.memref_slice %arg5[%dma_start3A_459] : memref<1605632xf32, #tpu.memory_space<vmem_shared>> -> memref<1605632xf32, #tpu.memory_space<vmem_shared>>
            tpu.enqueue_indirect_dma source(%dma_start3A_455 : memref<128xf32, #tpu.memory_space<vmem>>) target(%dma_start3A_460 : memref<1605632xf32, #tpu.memory_space<vmem_shared>>) offsets(%dma_start3A_458 : memref<128xi32, #tpu.memory_space<vmem>>) semaphore(%arg18 : memref<!tpu.dma_semaphore, #tpu.memory_space<semaphore_mem>>) {add = true}
            %sub3A_461 = arith.subi %scan3A_119, %scan3A_120 : i32
            %ge3A_462 = arith.constant 8 : i32
            %ge3A_463 = arith.cmpi sge, %sub3A_461, %ge3A_462 : i32
            %convert_element_type3A_464 = arith.extui %ge3A_463 : i1 to i32
            %cond3A_465 = arith.constant 0 : i32
            %cond3A_466 = arith.cmpi ne, %convert_element_type3A_464, %cond3A_465 : i32
            scf.if %cond3A_466 {
              %dma_wait3A_467 = arith.constant 0 : i32
              %dma_wait3A_468 = arith.constant 0 : i32
              %dma_wait3A_469 = arith.constant 0 : i32
              %dma_wait3A_470 = tpu.memref_slice %arg11[%dma_wait3A_467, %dma_wait3A_469] : memref<16x128xf32, #tpu.memory_space<vmem>> -> memref<1x128xf32, #tpu.memory_space<vmem>>
              %dma_wait3A_471 = tpu.memref_squeeze %dma_wait3A_470 : memref<1x128xf32, #tpu.memory_space<vmem>> -> memref<128xf32, #tpu.memory_space<vmem>>
              %dma_wait3A_472 = arith.constant 0 : i32
              %dma_wait3A_473 = tpu.memref_slice %arg10[%dma_wait3A_468, %dma_wait3A_472] : memref<16x128xi32, #tpu.memory_space<vmem>> -> memref<1x128xi32, #tpu.memory_space<vmem>>
              %dma_wait3A_474 = tpu.memref_squeeze %dma_wait3A_473 : memref<1x128xi32, #tpu.memory_space<vmem>> -> memref<128xi32, #tpu.memory_space<vmem>>
              %dma_wait3A_475 = arith.constant 0 : i32
              %dma_wait3A_476 = tpu.memref_slice %arg5[%dma_wait3A_475] : memref<1605632xf32, #tpu.memory_space<vmem_shared>> -> memref<1605632xf32, #tpu.memory_space<vmem_shared>>
              tpu.wait_indirect_dma semaphore(%arg18 : memref<!tpu.dma_semaphore, #tpu.memory_space<semaphore_mem>>) src(%dma_wait3A_471 : memref<128xf32, #tpu.memory_space<vmem>>) dst(%dma_wait3A_476 : memref<1605632xf32, #tpu.memory_space<vmem_shared>>)
            } else {
            }
          } else {
          }
          %ge3A_294 = arith.constant 128 : i32
          %ge3A_295 = arith.cmpi sge, %add3A_258, %ge3A_294 : i32
          %sub3A_296 = arith.subi %scan3A_119, %scan3A_120 : i32
          %ge3A_297 = arith.constant 8 : i32
          %ge3A_298 = arith.cmpi sge, %sub3A_296, %ge3A_297 : i32
          %and3A = arith.andi %ge3A_295, %ge3A_298 : i1
          %sub3A_299 = arith.constant 128 : i32
          %sub3A_300 = arith.subi %add3A_258, %sub3A_299 : i32
          %select_n3A = arith.select %ge3A_295, %sub3A_300, %add3A_258 : i32
          %add3A_301 = arith.constant 1 : i32
          %add3A_302 = arith.addi %scan3A_119, %add3A_301 : i32
          %select_n3A_303 = arith.select %ge3A_295, %add3A_302, %scan3A_119 : i32
          %add3A_304 = arith.constant 1 : i32
          %add3A_305 = arith.addi %scan3A_120, %add3A_304 : i32
          %select_n3A_306 = arith.select %and3A, %add3A_305, %scan3A_120 : i32
          scf.yield %select_n3A, %select_n3A_303, %select_n3A_306 : i32, i32, i32
        }
        %scan3A_93 = arith.constant 42 : i32
        %lt3A = arith.constant 55 : i32
        %lt3A_94 = arith.cmpi slt, %scan3A_77, %lt3A : i32
        %convert_element_type3A_95 = arith.extui %lt3A_94 : i1 to i32
        %cond3A_96 = arith.constant 0 : i32
        %cond3A_97 = arith.cmpi ne, %convert_element_type3A_95, %cond3A_96 : i32
        scf.if %cond3A_97 {
          %mul3A_117 = arith.constant 2 : i32
          %mul3A_118 = arith.muli %mul3A_117, %scan3A_77 : i32
          %add3A_119 = arith.constant 2 : i32
          %add3A_120 = arith.addi %mul3A_118, %add3A_119 : i32
          %mul3A_121 = arith.constant 602112 : i32
          %mul3A_122 = arith.muli %arg1, %mul3A_121 : i32
          %mul3A_123 = arith.constant 5376 : i32
          %mul3A_124 = arith.muli %add3A_120, %mul3A_123 : i32
          %add3A_125 = arith.addi %mul3A_122, %mul3A_124 : i32
          %dma_start3A_126 = tpu.memref_slice %arg2[%add3A_125] : memref<9633792xi32, #tpu.memory_space<hbm>> -> memref<5376xi32, #tpu.memory_space<hbm>>
          %dma_start3A_127 = tpu.memref_slice %arg2[%add3A_125] : memref<9633792xi32, #tpu.memory_space<hbm>> -> memref<5376xi32, #tpu.memory_space<hbm>>
          tpu.enqueue_dma source(%dma_start3A_127 : memref<5376xi32, #tpu.memory_space<hbm>>) target(%arg6 : memref<5376xi32, #tpu.memory_space<vmem>>) target_semaphore(%arg15 : memref<!tpu.dma_semaphore, #tpu.memory_space<semaphore_mem>>)
          %dma_start3A_128 = tpu.memref_slice %arg3[%add3A_125] : memref<9633792xf32, #tpu.memory_space<hbm>> -> memref<5376xf32, #tpu.memory_space<hbm>>
          %dma_start3A_129 = tpu.memref_slice %arg3[%add3A_125] : memref<9633792xf32, #tpu.memory_space<hbm>> -> memref<5376xf32, #tpu.memory_space<hbm>>
          tpu.enqueue_dma source(%dma_start3A_129 : memref<5376xf32, #tpu.memory_space<hbm>>) target(%arg7 : memref<5376xf32, #tpu.memory_space<vmem>>) target_semaphore(%arg15 : memref<!tpu.dma_semaphore, #tpu.memory_space<semaphore_mem>>)
        } else {
        }
        %dma_wait3A_98 = arith.constant 0 : i32
        %dma_wait3A_99 = tpu.memref_slice %arg2[%dma_wait3A_98] : memref<9633792xi32, #tpu.memory_space<hbm>> -> memref<5376xi32, #tpu.memory_space<hbm>>
        %dma_wait3A_100 = arith.constant 0 : i32
        %dma_wait3A_101 = tpu.memref_slice %arg2[%dma_wait3A_100] : memref<9633792xi32, #tpu.memory_space<hbm>> -> memref<5376xi32, #tpu.memory_space<hbm>>
        tpu.wait_dma2 semaphore(%arg16 : memref<!tpu.dma_semaphore, #tpu.memory_space<semaphore_mem>>) src(%dma_wait3A_101 : memref<5376xi32, #tpu.memory_space<hbm>>) dst(%arg8 : memref<5376xi32, #tpu.memory_space<vmem>>)
        %dma_wait3A_102 = arith.constant 0 : i32
        %dma_wait3A_103 = tpu.memref_slice %arg3[%dma_wait3A_102] : memref<9633792xf32, #tpu.memory_space<hbm>> -> memref<5376xf32, #tpu.memory_space<hbm>>
        %dma_wait3A_104 = arith.constant 0 : i32
        %dma_wait3A_105 = tpu.memref_slice %arg3[%dma_wait3A_104] : memref<9633792xf32, #tpu.memory_space<hbm>> -> memref<5376xf32, #tpu.memory_space<hbm>>
        tpu.wait_dma2 semaphore(%arg16 : memref<!tpu.dma_semaphore, #tpu.memory_space<semaphore_mem>>) src(%dma_wait3A_105 : memref<5376xf32, #tpu.memory_space<hbm>>) dst(%arg9 : memref<5376xf32, #tpu.memory_space<vmem>>)
        %scan3A_106 = arith.constant 0 : i32
        %scan3A_107 = arith.constant 42 : i32
        %scan3A_108 = arith.addi %scan3A_106, %scan3A_107 : i32
        %scan3A_109 = arith.constant 1 : i32
        %scan3A_110:3 = scf.for %scan3A_117 = %scan3A_106 to %scan3A_108 step %scan3A_109 iter_args(%scan3A_118 = %scan3A_92#0, %scan3A_119 = %scan3A_92#1, %scan3A_120 = %scan3A_92#2) -> (i32, i32, i32)  : i32 {
          %mul3A_121 = arith.constant 128 : i32
          %mul3A_122 = arith.muli %scan3A_117, %mul3A_121 : i32
          %add3A_123 = arith.constant 0 : i32
          %add3A_124 = arith.addi %mul3A_122, %add3A_123 : i32
          %get3A = arith.index_cast %add3A_124 : i32 to index
          %get3A_125 = tpu.vector_load %arg8[%get3A] {strides = array<i32>} : memref<5376xi32, #tpu.memory_space<vmem>>, vector<16xi32>,
          %sub3A = vector.broadcast %mul3A_18 : i32 to vector<16xi32>
          %sub3A_126 = arith.subi %get3A_125, %sub3A : vector<16xi32>
          %get3A_127 = arith.index_cast %add3A_124 : i32 to index
          %get3A_128 = tpu.vector_load %arg9[%get3A_127] {strides = array<i32>} : memref<5376xf32, #tpu.memory_space<vmem>>, vector<16xf32>,
          %bitcast3A = vector.bitcast %sub3A_126 : vector<16xi32> to vector<16xi32>
          %lt3A_129 = arith.constant 1605632 : i32
          %lt3A_130 = vector.broadcast %lt3A_129 : i32 to vector<16xi32>
          %lt3A_131 = arith.cmpi ult, %bitcast3A, %lt3A_130 : vector<16xi32>
          %all_reduce_population_count3A = tpu.all_reduce %lt3A_131 {dim = 0 : i64, kind = #tpu.reduction_kind<sum>} : vector<16xi1> -> vector<16xi32>
          %slice3A = vector.extract_strided_slice %all_reduce_population_count3A {offsets = [0], sizes = [1], strides = [1]} : vector<16xi32> to vector<1xi32>
          %squeeze3A = vector.extract %slice3A[0] : i32 from vector<1xi32>
          %mul3A_132 = arith.constant 128 : i32
          %mul3A_133 = arith.muli %scan3A_117, %mul3A_132 : i32
          %add3A_134 = arith.constant 16 : i32
          %add3A_135 = arith.addi %mul3A_133, %add3A_134 : i32
          %get3A_136 = arith.index_cast %add3A_135 : i32 to index
          %get3A_137 = tpu.vector_load %arg8[%get3A_136] {strides = array<i32>} : memref<5376xi32, #tpu.memory_space<vmem>>, vector<16xi32>,
          %sub3A_138 = vector.broadcast %mul3A_18 : i32 to vector<16xi32>
          %sub3A_139 = arith.subi %get3A_137, %sub3A_138 : vector<16xi32>
          %get3A_140 = arith.index_cast %add3A_135 : i32 to index
          %get3A_141 = tpu.vector_load %arg9[%get3A_140] {strides = array<i32>} : memref<5376xf32, #tpu.memory_space<vmem>>, vector<16xf32>,
          %bitcast3A_142 = vector.bitcast %sub3A_139 : vector<16xi32> to vector<16xi32>
          %lt3A_143 = arith.constant 1605632 : i32
          %lt3A_144 = vector.broadcast %lt3A_143 : i32 to vector<16xi32>
          %lt3A_145 = arith.cmpi ult, %bitcast3A_142, %lt3A_144 : vector<16xi32>
          %all_reduce_population_count3A_146 = tpu.all_reduce %lt3A_145 {dim = 0 : i64, kind = #tpu.reduction_kind<sum>} : vector<16xi1> -> vector<16xi32>
          %slice3A_147 = vector.extract_strided_slice %all_reduce_population_count3A_146 {offsets = [0], sizes = [1], strides = [1]} : vector<16xi32> to vector<1xi32>
          %squeeze3A_148 = vector.extract %slice3A_147[0] : i32 from vector<1xi32>
          %mul3A_149 = arith.constant 128 : i32
          %mul3A_150 = arith.muli %scan3A_117, %mul3A_149 : i32
          %add3A_151 = arith.constant 32 : i32
          %add3A_152 = arith.addi %mul3A_150, %add3A_151 : i32
          %get3A_153 = arith.index_cast %add3A_152 : i32 to index
          %get3A_154 = tpu.vector_load %arg8[%get3A_153] {strides = array<i32>} : memref<5376xi32, #tpu.memory_space<vmem>>, vector<16xi32>,
          %sub3A_155 = vector.broadcast %mul3A_18 : i32 to vector<16xi32>
          %sub3A_156 = arith.subi %get3A_154, %sub3A_155 : vector<16xi32>
          %get3A_157 = arith.index_cast %add3A_152 : i32 to index
          %get3A_158 = tpu.vector_load %arg9[%get3A_157] {strides = array<i32>} : memref<5376xf32, #tpu.memory_space<vmem>>, vector<16xf32>,
          %bitcast3A_159 = vector.bitcast %sub3A_156 : vector<16xi32> to vector<16xi32>
          %lt3A_160 = arith.constant 1605632 : i32
          %lt3A_161 = vector.broadcast %lt3A_160 : i32 to vector<16xi32>
          %lt3A_162 = arith.cmpi ult, %bitcast3A_159, %lt3A_161 : vector<16xi32>
          %all_reduce_population_count3A_163 = tpu.all_reduce %lt3A_162 {dim = 0 : i64, kind = #tpu.reduction_kind<sum>} : vector<16xi1> -> vector<16xi32>
          %slice3A_164 = vector.extract_strided_slice %all_reduce_population_count3A_163 {offsets = [0], sizes = [1], strides = [1]} : vector<16xi32> to vector<1xi32>
          %squeeze3A_165 = vector.extract %slice3A_164[0] : i32 from vector<1xi32>
          %mul3A_166 = arith.constant 128 : i32
          %mul3A_167 = arith.muli %scan3A_117, %mul3A_166 : i32
          %add3A_168 = arith.constant 48 : i32
          %add3A_169 = arith.addi %mul3A_167, %add3A_168 : i32
          %get3A_170 = arith.index_cast %add3A_169 : i32 to index
          %get3A_171 = tpu.vector_load %arg8[%get3A_170] {strides = array<i32>} : memref<5376xi32, #tpu.memory_space<vmem>>, vector<16xi32>,
          %sub3A_172 = vector.broadcast %mul3A_18 : i32 to vector<16xi32>
          %sub3A_173 = arith.subi %get3A_171, %sub3A_172 : vector<16xi32>
          %get3A_174 = arith.index_cast %add3A_169 : i32 to index
          %get3A_175 = tpu.vector_load %arg9[%get3A_174] {strides = array<i32>} : memref<5376xf32, #tpu.memory_space<vmem>>, vector<16xf32>,
          %bitcast3A_176 = vector.bitcast %sub3A_173 : vector<16xi32> to vector<16xi32>
          %lt3A_177 = arith.constant 1605632 : i32
          %lt3A_178 = vector.broadcast %lt3A_177 : i32 to vector<16xi32>
          %lt3A_179 = arith.cmpi ult, %bitcast3A_176, %lt3A_178 : vector<16xi32>
          %all_reduce_population_count3A_180 = tpu.all_reduce %lt3A_179 {dim = 0 : i64, kind = #tpu.reduction_kind<sum>} : vector<16xi1> -> vector<16xi32>
          %slice3A_181 = vector.extract_strided_slice %all_reduce_population_count3A_180 {offsets = [0], sizes = [1], strides = [1]} : vector<16xi32> to vector<1xi32>
          %squeeze3A_182 = vector.extract %slice3A_181[0] : i32 from vector<1xi32>
          %mul3A_183 = arith.constant 128 : i32
          %mul3A_184 = arith.muli %scan3A_117, %mul3A_183 : i32
          %add3A_185 = arith.constant 64 : i32
          %add3A_186 = arith.addi %mul3A_184, %add3A_185 : i32
          %get3A_187 = arith.index_cast %add3A_186 : i32 to index
          %get3A_188 = tpu.vector_load %arg8[%get3A_187] {strides = array<i32>} : memref<5376xi32, #tpu.memory_space<vmem>>, vector<16xi32>,
          %sub3A_189 = vector.broadcast %mul3A_18 : i32 to vector<16xi32>
          %sub3A_190 = arith.subi %get3A_188, %sub3A_189 : vector<16xi32>
          %get3A_191 = arith.index_cast %add3A_186 : i32 to index
          %get3A_192 = tpu.vector_load %arg9[%get3A_191] {strides = array<i32>} : memref<5376xf32, #tpu.memory_space<vmem>>, vector<16xf32>,
          %bitcast3A_193 = vector.bitcast %sub3A_190 : vector<16xi32> to vector<16xi32>
          %lt3A_194 = arith.constant 1605632 : i32
          %lt3A_195 = vector.broadcast %lt3A_194 : i32 to vector<16xi32>
          %lt3A_196 = arith.cmpi ult, %bitcast3A_193, %lt3A_195 : vector<16xi32>
          %all_reduce_population_count3A_197 = tpu.all_reduce %lt3A_196 {dim = 0 : i64, kind = #tpu.reduction_kind<sum>} : vector<16xi1> -> vector<16xi32>
          %slice3A_198 = vector.extract_strided_slice %all_reduce_population_count3A_197 {offsets = [0], sizes = [1], strides = [1]} : vector<16xi32> to vector<1xi32>
          %squeeze3A_199 = vector.extract %slice3A_198[0] : i32 from vector<1xi32>
          %mul3A_200 = arith.constant 128 : i32
          %mul3A_201 = arith.muli %scan3A_117, %mul3A_200 : i32
          %add3A_202 = arith.constant 80 : i32
          %add3A_203 = arith.addi %mul3A_201, %add3A_202 : i32
          %get3A_204 = arith.index_cast %add3A_203 : i32 to index
          %get3A_205 = tpu.vector_load %arg8[%get3A_204] {strides = array<i32>} : memref<5376xi32, #tpu.memory_space<vmem>>, vector<16xi32>,
          %sub3A_206 = vector.broadcast %mul3A_18 : i32 to vector<16xi32>
          %sub3A_207 = arith.subi %get3A_205, %sub3A_206 : vector<16xi32>
          %get3A_208 = arith.index_cast %add3A_203 : i32 to index
          %get3A_209 = tpu.vector_load %arg9[%get3A_208] {strides = array<i32>} : memref<5376xf32, #tpu.memory_space<vmem>>, vector<16xf32>,
          %bitcast3A_210 = vector.bitcast %sub3A_207 : vector<16xi32> to vector<16xi32>
          %lt3A_211 = arith.constant 1605632 : i32
          %lt3A_212 = vector.broadcast %lt3A_211 : i32 to vector<16xi32>
          %lt3A_213 = arith.cmpi ult, %bitcast3A_210, %lt3A_212 : vector<16xi32>
          %all_reduce_population_count3A_214 = tpu.all_reduce %lt3A_213 {dim = 0 : i64, kind = #tpu.reduction_kind<sum>} : vector<16xi1> -> vector<16xi32>
          %slice3A_215 = vector.extract_strided_slice %all_reduce_population_count3A_214 {offsets = [0], sizes = [1], strides = [1]} : vector<16xi32> to vector<1xi32>
          %squeeze3A_216 = vector.extract %slice3A_215[0] : i32 from vector<1xi32>
          %mul3A_217 = arith.constant 128 : i32
          %mul3A_218 = arith.muli %scan3A_117, %mul3A_217 : i32
          %add3A_219 = arith.constant 96 : i32
          %add3A_220 = arith.addi %mul3A_218, %add3A_219 : i32
          %get3A_221 = arith.index_cast %add3A_220 : i32 to index
          %get3A_222 = tpu.vector_load %arg8[%get3A_221] {strides = array<i32>} : memref<5376xi32, #tpu.memory_space<vmem>>, vector<16xi32>,
          %sub3A_223 = vector.broadcast %mul3A_18 : i32 to vector<16xi32>
          %sub3A_224 = arith.subi %get3A_222, %sub3A_223 : vector<16xi32>
          %get3A_225 = arith.index_cast %add3A_220 : i32 to index
          %get3A_226 = tpu.vector_load %arg9[%get3A_225] {strides = array<i32>} : memref<5376xf32, #tpu.memory_space<vmem>>, vector<16xf32>,
          %bitcast3A_227 = vector.bitcast %sub3A_224 : vector<16xi32> to vector<16xi32>
          %lt3A_228 = arith.constant 1605632 : i32
          %lt3A_229 = vector.broadcast %lt3A_228 : i32 to vector<16xi32>
          %lt3A_230 = arith.cmpi ult, %bitcast3A_227, %lt3A_229 : vector<16xi32>
          %all_reduce_population_count3A_231 = tpu.all_reduce %lt3A_230 {dim = 0 : i64, kind = #tpu.reduction_kind<sum>} : vector<16xi1> -> vector<16xi32>
          %slice3A_232 = vector.extract_strided_slice %all_reduce_population_count3A_231 {offsets = [0], sizes = [1], strides = [1]} : vector<16xi32> to vector<1xi32>
          %squeeze3A_233 = vector.extract %slice3A_232[0] : i32 from vector<1xi32>
          %mul3A_234 = arith.constant 128 : i32
          %mul3A_235 = arith.muli %scan3A_117, %mul3A_234 : i32
          %add3A_236 = arith.constant 112 : i32
          %add3A_237 = arith.addi %mul3A_235, %add3A_236 : i32
          %get3A_238 = arith.index_cast %add3A_237 : i32 to index
          %get3A_239 = tpu.vector_load %arg8[%get3A_238] {strides = array<i32>} : memref<5376xi32, #tpu.memory_space<vmem>>, vector<16xi32>,
          %sub3A_240 = vector.broadcast %mul3A_18 : i32 to vector<16xi32>
          %sub3A_241 = arith.subi %get3A_239, %sub3A_240 : vector<16xi32>
          %get3A_242 = arith.index_cast %add3A_237 : i32 to index
          %get3A_243 = tpu.vector_load %arg9[%get3A_242] {strides = array<i32>} : memref<5376xf32, #tpu.memory_space<vmem>>, vector<16xf32>,
          %bitcast3A_244 = vector.bitcast %sub3A_241 : vector<16xi32> to vector<16xi32>
          %lt3A_245 = arith.constant 1605632 : i32
          %lt3A_246 = vector.broadcast %lt3A_245 : i32 to vector<16xi32>
          %lt3A_247 = arith.cmpi ult, %bitcast3A_244, %lt3A_246 : vector<16xi32>
          %all_reduce_population_count3A_248 = tpu.all_reduce %lt3A_247 {dim = 0 : i64, kind = #tpu.reduction_kind<sum>} : vector<16xi1> -> vector<16xi32>
          %slice3A_249 = vector.extract_strided_slice %all_reduce_population_count3A_248 {offsets = [0], sizes = [1], strides = [1]} : vector<16xi32> to vector<1xi32>
          %squeeze3A_250 = vector.extract %slice3A_249[0] : i32 from vector<1xi32>
          %add3A_251 = arith.addi %scan3A_118, %squeeze3A : i32
          %add3A_252 = arith.addi %add3A_251, %squeeze3A_148 : i32
          %add3A_253 = arith.addi %add3A_252, %squeeze3A_165 : i32
          %add3A_254 = arith.addi %add3A_253, %squeeze3A_182 : i32
          %add3A_255 = arith.addi %add3A_254, %squeeze3A_199 : i32
          %add3A_256 = arith.addi %add3A_255, %squeeze3A_216 : i32
          %add3A_257 = arith.addi %add3A_256, %squeeze3A_233 : i32
          %add3A_258 = arith.addi %add3A_257, %squeeze3A_250 : i32
          %swap3A = arith.index_cast %scan3A_118 : i32 to index
          %swap3A_259 = tpu.vector_load %arg12[%swap3A] masked %lt3A_131 {strides = array<i32>} : memref<256xi32, #tpu.memory_space<vmem>>, vector<16xi32>, vector<16xi1>
          tpu.vector_store %arg12[%swap3A], %sub3A_126 masked %lt3A_131 {strides = array<i32>} : memref<256xi32, #tpu.memory_space<vmem>>, vector<16xi32>, vector<16xi1>
          %swap3A_260 = arith.index_cast %scan3A_118 : i32 to index
          %swap3A_261 = tpu.vector_load %arg13[%swap3A_260] masked %lt3A_131 {strides = array<i32>} : memref<256xf32, #tpu.memory_space<vmem>>, vector<16xf32>, vector<16xi1>
          tpu.vector_store %arg13[%swap3A_260], %get3A_128 masked %lt3A_131 {strides = array<i32>} : memref<256xf32, #tpu.memory_space<vmem>>, vector<16xf32>, vector<16xi1>
          %swap3A_262 = arith.index_cast %add3A_251 : i32 to index
          %swap3A_263 = tpu.vector_load %arg12[%swap3A_262] masked %lt3A_145 {strides = array<i32>} : memref<256xi32, #tpu.memory_space<vmem>>, vector<16xi32>, vector<16xi1>
          tpu.vector_store %arg12[%swap3A_262], %sub3A_139 masked %lt3A_145 {strides = array<i32>} : memref<256xi32, #tpu.memory_space<vmem>>, vector<16xi32>, vector<16xi1>
          %swap3A_264 = arith.index_cast %add3A_251 : i32 to index
          %swap3A_265 = tpu.vector_load %arg13[%swap3A_264] masked %lt3A_145 {strides = array<i32>} : memref<256xf32, #tpu.memory_space<vmem>>, vector<16xf32>, vector<16xi1>
          tpu.vector_store %arg13[%swap3A_264], %get3A_141 masked %lt3A_145 {strides = array<i32>} : memref<256xf32, #tpu.memory_space<vmem>>, vector<16xf32>, vector<16xi1>
          %swap3A_266 = arith.index_cast %add3A_252 : i32 to index
          %swap3A_267 = tpu.vector_load %arg12[%swap3A_266] masked %lt3A_162 {strides = array<i32>} : memref<256xi32, #tpu.memory_space<vmem>>, vector<16xi32>, vector<16xi1>
          tpu.vector_store %arg12[%swap3A_266], %sub3A_156 masked %lt3A_162 {strides = array<i32>} : memref<256xi32, #tpu.memory_space<vmem>>, vector<16xi32>, vector<16xi1>
          %swap3A_268 = arith.index_cast %add3A_252 : i32 to index
          %swap3A_269 = tpu.vector_load %arg13[%swap3A_268] masked %lt3A_162 {strides = array<i32>} : memref<256xf32, #tpu.memory_space<vmem>>, vector<16xf32>, vector<16xi1>
          tpu.vector_store %arg13[%swap3A_268], %get3A_158 masked %lt3A_162 {strides = array<i32>} : memref<256xf32, #tpu.memory_space<vmem>>, vector<16xf32>, vector<16xi1>
          %swap3A_270 = arith.index_cast %add3A_253 : i32 to index
          %swap3A_271 = tpu.vector_load %arg12[%swap3A_270] masked %lt3A_179 {strides = array<i32>} : memref<256xi32, #tpu.memory_space<vmem>>, vector<16xi32>, vector<16xi1>
          tpu.vector_store %arg12[%swap3A_270], %sub3A_173 masked %lt3A_179 {strides = array<i32>} : memref<256xi32, #tpu.memory_space<vmem>>, vector<16xi32>, vector<16xi1>
          %swap3A_272 = arith.index_cast %add3A_253 : i32 to index
          %swap3A_273 = tpu.vector_load %arg13[%swap3A_272] masked %lt3A_179 {strides = array<i32>} : memref<256xf32, #tpu.memory_space<vmem>>, vector<16xf32>, vector<16xi1>
          tpu.vector_store %arg13[%swap3A_272], %get3A_175 masked %lt3A_179 {strides = array<i32>} : memref<256xf32, #tpu.memory_space<vmem>>, vector<16xf32>, vector<16xi1>
          %swap3A_274 = arith.index_cast %add3A_254 : i32 to index
          %swap3A_275 = tpu.vector_load %arg12[%swap3A_274] masked %lt3A_196 {strides = array<i32>} : memref<256xi32, #tpu.memory_space<vmem>>, vector<16xi32>, vector<16xi1>
          tpu.vector_store %arg12[%swap3A_274], %sub3A_190 masked %lt3A_196 {strides = array<i32>} : memref<256xi32, #tpu.memory_space<vmem>>, vector<16xi32>, vector<16xi1>
          %swap3A_276 = arith.index_cast %add3A_254 : i32 to index
          %swap3A_277 = tpu.vector_load %arg13[%swap3A_276] masked %lt3A_196 {strides = array<i32>} : memref<256xf32, #tpu.memory_space<vmem>>, vector<16xf32>, vector<16xi1>
          tpu.vector_store %arg13[%swap3A_276], %get3A_192 masked %lt3A_196 {strides = array<i32>} : memref<256xf32, #tpu.memory_space<vmem>>, vector<16xf32>, vector<16xi1>
          %swap3A_278 = arith.index_cast %add3A_255 : i32 to index
          %swap3A_279 = tpu.vector_load %arg12[%swap3A_278] masked %lt3A_213 {strides = array<i32>} : memref<256xi32, #tpu.memory_space<vmem>>, vector<16xi32>, vector<16xi1>
          tpu.vector_store %arg12[%swap3A_278], %sub3A_207 masked %lt3A_213 {strides = array<i32>} : memref<256xi32, #tpu.memory_space<vmem>>, vector<16xi32>, vector<16xi1>
          %swap3A_280 = arith.index_cast %add3A_255 : i32 to index
          %swap3A_281 = tpu.vector_load %arg13[%swap3A_280] masked %lt3A_213 {strides = array<i32>} : memref<256xf32, #tpu.memory_space<vmem>>, vector<16xf32>, vector<16xi1>
          tpu.vector_store %arg13[%swap3A_280], %get3A_209 masked %lt3A_213 {strides = array<i32>} : memref<256xf32, #tpu.memory_space<vmem>>, vector<16xf32>, vector<16xi1>
          %swap3A_282 = arith.index_cast %add3A_256 : i32 to index
          %swap3A_283 = tpu.vector_load %arg12[%swap3A_282] masked %lt3A_230 {strides = array<i32>} : memref<256xi32, #tpu.memory_space<vmem>>, vector<16xi32>, vector<16xi1>
          tpu.vector_store %arg12[%swap3A_282], %sub3A_224 masked %lt3A_230 {strides = array<i32>} : memref<256xi32, #tpu.memory_space<vmem>>, vector<16xi32>, vector<16xi1>
          %swap3A_284 = arith.index_cast %add3A_256 : i32 to index
          %swap3A_285 = tpu.vector_load %arg13[%swap3A_284] masked %lt3A_230 {strides = array<i32>} : memref<256xf32, #tpu.memory_space<vmem>>, vector<16xf32>, vector<16xi1>
          tpu.vector_store %arg13[%swap3A_284], %get3A_226 masked %lt3A_230 {strides = array<i32>} : memref<256xf32, #tpu.memory_space<vmem>>, vector<16xf32>, vector<16xi1>
          %swap3A_286 = arith.index_cast %add3A_257 : i32 to index
          %swap3A_287 = tpu.vector_load %arg12[%swap3A_286] masked %lt3A_247 {strides = array<i32>} : memref<256xi32, #tpu.memory_space<vmem>>, vector<16xi32>, vector<16xi1>
          tpu.vector_store %arg12[%swap3A_286], %sub3A_241 masked %lt3A_247 {strides = array<i32>} : memref<256xi32, #tpu.memory_space<vmem>>, vector<16xi32>, vector<16xi1>
          %swap3A_288 = arith.index_cast %add3A_257 : i32 to index
          %swap3A_289 = tpu.vector_load %arg13[%swap3A_288] masked %lt3A_247 {strides = array<i32>} : memref<256xf32, #tpu.memory_space<vmem>>, vector<16xf32>, vector<16xi1>
          tpu.vector_store %arg13[%swap3A_288], %get3A_243 masked %lt3A_247 {strides = array<i32>} : memref<256xf32, #tpu.memory_space<vmem>>, vector<16xf32>, vector<16xi1>
          %ge3A = arith.constant 128 : i32
          %ge3A_290 = arith.cmpi sge, %add3A_258, %ge3A : i32
          %convert_element_type3A_291 = arith.extui %ge3A_290 : i1 to i32
          %cond3A_292 = arith.constant 0 : i32
          %cond3A_293 = arith.cmpi ne, %convert_element_type3A_291, %cond3A_292 : i32
          scf.if %cond3A_293 {
            %and3A_307 = arith.constant 15 : i32
            %and3A_308 = arith.andi %scan3A_119, %and3A_307 : i32
            %get3A_309 = arith.constant 0 : index
            %get3A_310 = tpu.vector_load %arg12[%get3A_309] {strides = array<i32>} : memref<256xi32, #tpu.memory_space<vmem>>, vector<16xi32>,
            %swap3A_311 = arith.index_cast %and3A_308 : i32 to index
            %swap3A_312 = arith.constant 0 : index
            %swap3A_313 = tpu.vector_load %arg10[%swap3A_311, %swap3A_312] {strides = array<i32>} : memref<16x128xi32, #tpu.memory_space<vmem>>, vector<16xi32>,
            tpu.vector_store %arg10[%swap3A_311, %swap3A_312], %get3A_310 {strides = array<i32>} : memref<16x128xi32, #tpu.memory_space<vmem>>, vector<16xi32>,
            %get3A_314 = arith.constant 0 : index
            %get3A_315 = tpu.vector_load %arg13[%get3A_314] {strides = array<i32>} : memref<256xf32, #tpu.memory_space<vmem>>, vector<16xf32>,
            %swap3A_316 = arith.index_cast %and3A_308 : i32 to index
            %swap3A_317 = arith.constant 0 : index
            %swap3A_318 = tpu.vector_load %arg11[%swap3A_316, %swap3A_317] {strides = array<i32>} : memref<16x128xf32, #tpu.memory_space<vmem>>, vector<16xf32>,
            tpu.vector_store %arg11[%swap3A_316, %swap3A_317], %get3A_315 {strides = array<i32>} : memref<16x128xf32, #tpu.memory_space<vmem>>, vector<16xf32>,
            %get3A_319 = arith.constant 16 : index
            %get3A_320 = tpu.vector_load %arg12[%get3A_319] {strides = array<i32>} : memref<256xi32, #tpu.memory_space<vmem>>, vector<16xi32>,
            %swap3A_321 = arith.index_cast %and3A_308 : i32 to index
            %swap3A_322 = arith.constant 16 : index
            %swap3A_323 = tpu.vector_load %arg10[%swap3A_321, %swap3A_322] {strides = array<i32>} : memref<16x128xi32, #tpu.memory_space<vmem>>, vector<16xi32>,
            tpu.vector_store %arg10[%swap3A_321, %swap3A_322], %get3A_320 {strides = array<i32>} : memref<16x128xi32, #tpu.memory_space<vmem>>, vector<16xi32>,
            %get3A_324 = arith.constant 16 : index
            %get3A_325 = tpu.vector_load %arg13[%get3A_324] {strides = array<i32>} : memref<256xf32, #tpu.memory_space<vmem>>, vector<16xf32>,
            %swap3A_326 = arith.index_cast %and3A_308 : i32 to index
            %swap3A_327 = arith.constant 16 : index
            %swap3A_328 = tpu.vector_load %arg11[%swap3A_326, %swap3A_327] {strides = array<i32>} : memref<16x128xf32, #tpu.memory_space<vmem>>, vector<16xf32>,
            tpu.vector_store %arg11[%swap3A_326, %swap3A_327], %get3A_325 {strides = array<i32>} : memref<16x128xf32, #tpu.memory_space<vmem>>, vector<16xf32>,
            %get3A_329 = arith.constant 32 : index
            %get3A_330 = tpu.vector_load %arg12[%get3A_329] {strides = array<i32>} : memref<256xi32, #tpu.memory_space<vmem>>, vector<16xi32>,
            %swap3A_331 = arith.index_cast %and3A_308 : i32 to index
            %swap3A_332 = arith.constant 32 : index
            %swap3A_333 = tpu.vector_load %arg10[%swap3A_331, %swap3A_332] {strides = array<i32>} : memref<16x128xi32, #tpu.memory_space<vmem>>, vector<16xi32>,
            tpu.vector_store %arg10[%swap3A_331, %swap3A_332], %get3A_330 {strides = array<i32>} : memref<16x128xi32, #tpu.memory_space<vmem>>, vector<16xi32>,
            %get3A_334 = arith.constant 32 : index
            %get3A_335 = tpu.vector_load %arg13[%get3A_334] {strides = array<i32>} : memref<256xf32, #tpu.memory_space<vmem>>, vector<16xf32>,
            %swap3A_336 = arith.index_cast %and3A_308 : i32 to index
            %swap3A_337 = arith.constant 32 : index
            %swap3A_338 = tpu.vector_load %arg11[%swap3A_336, %swap3A_337] {strides = array<i32>} : memref<16x128xf32, #tpu.memory_space<vmem>>, vector<16xf32>,
            tpu.vector_store %arg11[%swap3A_336, %swap3A_337], %get3A_335 {strides = array<i32>} : memref<16x128xf32, #tpu.memory_space<vmem>>, vector<16xf32>,
            %get3A_339 = arith.constant 48 : index
            %get3A_340 = tpu.vector_load %arg12[%get3A_339] {strides = array<i32>} : memref<256xi32, #tpu.memory_space<vmem>>, vector<16xi32>,
            %swap3A_341 = arith.index_cast %and3A_308 : i32 to index
            %swap3A_342 = arith.constant 48 : index
            %swap3A_343 = tpu.vector_load %arg10[%swap3A_341, %swap3A_342] {strides = array<i32>} : memref<16x128xi32, #tpu.memory_space<vmem>>, vector<16xi32>,
            tpu.vector_store %arg10[%swap3A_341, %swap3A_342], %get3A_340 {strides = array<i32>} : memref<16x128xi32, #tpu.memory_space<vmem>>, vector<16xi32>,
            %get3A_344 = arith.constant 48 : index
            %get3A_345 = tpu.vector_load %arg13[%get3A_344] {strides = array<i32>} : memref<256xf32, #tpu.memory_space<vmem>>, vector<16xf32>,
            %swap3A_346 = arith.index_cast %and3A_308 : i32 to index
            %swap3A_347 = arith.constant 48 : index
            %swap3A_348 = tpu.vector_load %arg11[%swap3A_346, %swap3A_347] {strides = array<i32>} : memref<16x128xf32, #tpu.memory_space<vmem>>, vector<16xf32>,
            tpu.vector_store %arg11[%swap3A_346, %swap3A_347], %get3A_345 {strides = array<i32>} : memref<16x128xf32, #tpu.memory_space<vmem>>, vector<16xf32>,
            %get3A_349 = arith.constant 64 : index
            %get3A_350 = tpu.vector_load %arg12[%get3A_349] {strides = array<i32>} : memref<256xi32, #tpu.memory_space<vmem>>, vector<16xi32>,
            %swap3A_351 = arith.index_cast %and3A_308 : i32 to index
            %swap3A_352 = arith.constant 64 : index
            %swap3A_353 = tpu.vector_load %arg10[%swap3A_351, %swap3A_352] {strides = array<i32>} : memref<16x128xi32, #tpu.memory_space<vmem>>, vector<16xi32>,
            tpu.vector_store %arg10[%swap3A_351, %swap3A_352], %get3A_350 {strides = array<i32>} : memref<16x128xi32, #tpu.memory_space<vmem>>, vector<16xi32>,
            %get3A_354 = arith.constant 64 : index
            %get3A_355 = tpu.vector_load %arg13[%get3A_354] {strides = array<i32>} : memref<256xf32, #tpu.memory_space<vmem>>, vector<16xf32>,
            %swap3A_356 = arith.index_cast %and3A_308 : i32 to index
            %swap3A_357 = arith.constant 64 : index
            %swap3A_358 = tpu.vector_load %arg11[%swap3A_356, %swap3A_357] {strides = array<i32>} : memref<16x128xf32, #tpu.memory_space<vmem>>, vector<16xf32>,
            tpu.vector_store %arg11[%swap3A_356, %swap3A_357], %get3A_355 {strides = array<i32>} : memref<16x128xf32, #tpu.memory_space<vmem>>, vector<16xf32>,
            %get3A_359 = arith.constant 80 : index
            %get3A_360 = tpu.vector_load %arg12[%get3A_359] {strides = array<i32>} : memref<256xi32, #tpu.memory_space<vmem>>, vector<16xi32>,
            %swap3A_361 = arith.index_cast %and3A_308 : i32 to index
            %swap3A_362 = arith.constant 80 : index
            %swap3A_363 = tpu.vector_load %arg10[%swap3A_361, %swap3A_362] {strides = array<i32>} : memref<16x128xi32, #tpu.memory_space<vmem>>, vector<16xi32>,
            tpu.vector_store %arg10[%swap3A_361, %swap3A_362], %get3A_360 {strides = array<i32>} : memref<16x128xi32, #tpu.memory_space<vmem>>, vector<16xi32>,
            %get3A_364 = arith.constant 80 : index
            %get3A_365 = tpu.vector_load %arg13[%get3A_364] {strides = array<i32>} : memref<256xf32, #tpu.memory_space<vmem>>, vector<16xf32>,
            %swap3A_366 = arith.index_cast %and3A_308 : i32 to index
            %swap3A_367 = arith.constant 80 : index
            %swap3A_368 = tpu.vector_load %arg11[%swap3A_366, %swap3A_367] {strides = array<i32>} : memref<16x128xf32, #tpu.memory_space<vmem>>, vector<16xf32>,
            tpu.vector_store %arg11[%swap3A_366, %swap3A_367], %get3A_365 {strides = array<i32>} : memref<16x128xf32, #tpu.memory_space<vmem>>, vector<16xf32>,
            %get3A_369 = arith.constant 96 : index
            %get3A_370 = tpu.vector_load %arg12[%get3A_369] {strides = array<i32>} : memref<256xi32, #tpu.memory_space<vmem>>, vector<16xi32>,
            %swap3A_371 = arith.index_cast %and3A_308 : i32 to index
            %swap3A_372 = arith.constant 96 : index
            %swap3A_373 = tpu.vector_load %arg10[%swap3A_371, %swap3A_372] {strides = array<i32>} : memref<16x128xi32, #tpu.memory_space<vmem>>, vector<16xi32>,
            tpu.vector_store %arg10[%swap3A_371, %swap3A_372], %get3A_370 {strides = array<i32>} : memref<16x128xi32, #tpu.memory_space<vmem>>, vector<16xi32>,
            %get3A_374 = arith.constant 96 : index
            %get3A_375 = tpu.vector_load %arg13[%get3A_374] {strides = array<i32>} : memref<256xf32, #tpu.memory_space<vmem>>, vector<16xf32>,
            %swap3A_376 = arith.index_cast %and3A_308 : i32 to index
            %swap3A_377 = arith.constant 96 : index
            %swap3A_378 = tpu.vector_load %arg11[%swap3A_376, %swap3A_377] {strides = array<i32>} : memref<16x128xf32, #tpu.memory_space<vmem>>, vector<16xf32>,
            tpu.vector_store %arg11[%swap3A_376, %swap3A_377], %get3A_375 {strides = array<i32>} : memref<16x128xf32, #tpu.memory_space<vmem>>, vector<16xf32>,
            %get3A_379 = arith.constant 112 : index
            %get3A_380 = tpu.vector_load %arg12[%get3A_379] {strides = array<i32>} : memref<256xi32, #tpu.memory_space<vmem>>, vector<16xi32>,
            %swap3A_381 = arith.index_cast %and3A_308 : i32 to index
            %swap3A_382 = arith.constant 112 : index
            %swap3A_383 = tpu.vector_load %arg10[%swap3A_381, %swap3A_382] {strides = array<i32>} : memref<16x128xi32, #tpu.memory_space<vmem>>, vector<16xi32>,
            tpu.vector_store %arg10[%swap3A_381, %swap3A_382], %get3A_380 {strides = array<i32>} : memref<16x128xi32, #tpu.memory_space<vmem>>, vector<16xi32>,
            %get3A_384 = arith.constant 112 : index
            %get3A_385 = tpu.vector_load %arg13[%get3A_384] {strides = array<i32>} : memref<256xf32, #tpu.memory_space<vmem>>, vector<16xf32>,
            %swap3A_386 = arith.index_cast %and3A_308 : i32 to index
            %swap3A_387 = arith.constant 112 : index
            %swap3A_388 = tpu.vector_load %arg11[%swap3A_386, %swap3A_387] {strides = array<i32>} : memref<16x128xf32, #tpu.memory_space<vmem>>, vector<16xf32>,
            tpu.vector_store %arg11[%swap3A_386, %swap3A_387], %get3A_385 {strides = array<i32>} : memref<16x128xf32, #tpu.memory_space<vmem>>, vector<16xf32>,
            %get3A_389 = arith.constant 128 : index
            %get3A_390 = tpu.vector_load %arg12[%get3A_389] {strides = array<i32>} : memref<256xi32, #tpu.memory_space<vmem>>, vector<16xi32>,
            %swap3A_391 = arith.constant 0 : index
            %swap3A_392 = tpu.vector_load %arg12[%swap3A_391] {strides = array<i32>} : memref<256xi32, #tpu.memory_space<vmem>>, vector<16xi32>,
            tpu.vector_store %arg12[%swap3A_391], %get3A_390 {strides = array<i32>} : memref<256xi32, #tpu.memory_space<vmem>>, vector<16xi32>,
            %get3A_393 = arith.constant 128 : index
            %get3A_394 = tpu.vector_load %arg13[%get3A_393] {strides = array<i32>} : memref<256xf32, #tpu.memory_space<vmem>>, vector<16xf32>,
            %swap3A_395 = arith.constant 0 : index
            %swap3A_396 = tpu.vector_load %arg13[%swap3A_395] {strides = array<i32>} : memref<256xf32, #tpu.memory_space<vmem>>, vector<16xf32>,
            tpu.vector_store %arg13[%swap3A_395], %get3A_394 {strides = array<i32>} : memref<256xf32, #tpu.memory_space<vmem>>, vector<16xf32>,
            %get3A_397 = arith.constant 144 : index
            %get3A_398 = tpu.vector_load %arg12[%get3A_397] {strides = array<i32>} : memref<256xi32, #tpu.memory_space<vmem>>, vector<16xi32>,
            %swap3A_399 = arith.constant 16 : index
            %swap3A_400 = tpu.vector_load %arg12[%swap3A_399] {strides = array<i32>} : memref<256xi32, #tpu.memory_space<vmem>>, vector<16xi32>,
            tpu.vector_store %arg12[%swap3A_399], %get3A_398 {strides = array<i32>} : memref<256xi32, #tpu.memory_space<vmem>>, vector<16xi32>,
            %get3A_401 = arith.constant 144 : index
            %get3A_402 = tpu.vector_load %arg13[%get3A_401] {strides = array<i32>} : memref<256xf32, #tpu.memory_space<vmem>>, vector<16xf32>,
            %swap3A_403 = arith.constant 16 : index
            %swap3A_404 = tpu.vector_load %arg13[%swap3A_403] {strides = array<i32>} : memref<256xf32, #tpu.memory_space<vmem>>, vector<16xf32>,
            tpu.vector_store %arg13[%swap3A_403], %get3A_402 {strides = array<i32>} : memref<256xf32, #tpu.memory_space<vmem>>, vector<16xf32>,
            %get3A_405 = arith.constant 160 : index
            %get3A_406 = tpu.vector_load %arg12[%get3A_405] {strides = array<i32>} : memref<256xi32, #tpu.memory_space<vmem>>, vector<16xi32>,
            %swap3A_407 = arith.constant 32 : index
            %swap3A_408 = tpu.vector_load %arg12[%swap3A_407] {strides = array<i32>} : memref<256xi32, #tpu.memory_space<vmem>>, vector<16xi32>,
            tpu.vector_store %arg12[%swap3A_407], %get3A_406 {strides = array<i32>} : memref<256xi32, #tpu.memory_space<vmem>>, vector<16xi32>,
            %get3A_409 = arith.constant 160 : index
            %get3A_410 = tpu.vector_load %arg13[%get3A_409] {strides = array<i32>} : memref<256xf32, #tpu.memory_space<vmem>>, vector<16xf32>,
            %swap3A_411 = arith.constant 32 : index
            %swap3A_412 = tpu.vector_load %arg13[%swap3A_411] {strides = array<i32>} : memref<256xf32, #tpu.memory_space<vmem>>, vector<16xf32>,
            tpu.vector_store %arg13[%swap3A_411], %get3A_410 {strides = array<i32>} : memref<256xf32, #tpu.memory_space<vmem>>, vector<16xf32>,
            %get3A_413 = arith.constant 176 : index
            %get3A_414 = tpu.vector_load %arg12[%get3A_413] {strides = array<i32>} : memref<256xi32, #tpu.memory_space<vmem>>, vector<16xi32>,
            %swap3A_415 = arith.constant 48 : index
            %swap3A_416 = tpu.vector_load %arg12[%swap3A_415] {strides = array<i32>} : memref<256xi32, #tpu.memory_space<vmem>>, vector<16xi32>,
            tpu.vector_store %arg12[%swap3A_415], %get3A_414 {strides = array<i32>} : memref<256xi32, #tpu.memory_space<vmem>>, vector<16xi32>,
            %get3A_417 = arith.constant 176 : index
            %get3A_418 = tpu.vector_load %arg13[%get3A_417] {strides = array<i32>} : memref<256xf32, #tpu.memory_space<vmem>>, vector<16xf32>,
            %swap3A_419 = arith.constant 48 : index
            %swap3A_420 = tpu.vector_load %arg13[%swap3A_419] {strides = array<i32>} : memref<256xf32, #tpu.memory_space<vmem>>, vector<16xf32>,
            tpu.vector_store %arg13[%swap3A_419], %get3A_418 {strides = array<i32>} : memref<256xf32, #tpu.memory_space<vmem>>, vector<16xf32>,
            %get3A_421 = arith.constant 192 : index
            %get3A_422 = tpu.vector_load %arg12[%get3A_421] {strides = array<i32>} : memref<256xi32, #tpu.memory_space<vmem>>, vector<16xi32>,
            %swap3A_423 = arith.constant 64 : index
            %swap3A_424 = tpu.vector_load %arg12[%swap3A_423] {strides = array<i32>} : memref<256xi32, #tpu.memory_space<vmem>>, vector<16xi32>,
            tpu.vector_store %arg12[%swap3A_423], %get3A_422 {strides = array<i32>} : memref<256xi32, #tpu.memory_space<vmem>>, vector<16xi32>,
            %get3A_425 = arith.constant 192 : index
            %get3A_426 = tpu.vector_load %arg13[%get3A_425] {strides = array<i32>} : memref<256xf32, #tpu.memory_space<vmem>>, vector<16xf32>,
            %swap3A_427 = arith.constant 64 : index
            %swap3A_428 = tpu.vector_load %arg13[%swap3A_427] {strides = array<i32>} : memref<256xf32, #tpu.memory_space<vmem>>, vector<16xf32>,
            tpu.vector_store %arg13[%swap3A_427], %get3A_426 {strides = array<i32>} : memref<256xf32, #tpu.memory_space<vmem>>, vector<16xf32>,
            %get3A_429 = arith.constant 208 : index
            %get3A_430 = tpu.vector_load %arg12[%get3A_429] {strides = array<i32>} : memref<256xi32, #tpu.memory_space<vmem>>, vector<16xi32>,
            %swap3A_431 = arith.constant 80 : index
            %swap3A_432 = tpu.vector_load %arg12[%swap3A_431] {strides = array<i32>} : memref<256xi32, #tpu.memory_space<vmem>>, vector<16xi32>,
            tpu.vector_store %arg12[%swap3A_431], %get3A_430 {strides = array<i32>} : memref<256xi32, #tpu.memory_space<vmem>>, vector<16xi32>,
            %get3A_433 = arith.constant 208 : index
            %get3A_434 = tpu.vector_load %arg13[%get3A_433] {strides = array<i32>} : memref<256xf32, #tpu.memory_space<vmem>>, vector<16xf32>,
            %swap3A_435 = arith.constant 80 : index
            %swap3A_436 = tpu.vector_load %arg13[%swap3A_435] {strides = array<i32>} : memref<256xf32, #tpu.memory_space<vmem>>, vector<16xf32>,
            tpu.vector_store %arg13[%swap3A_435], %get3A_434 {strides = array<i32>} : memref<256xf32, #tpu.memory_space<vmem>>, vector<16xf32>,
            %get3A_437 = arith.constant 224 : index
            %get3A_438 = tpu.vector_load %arg12[%get3A_437] {strides = array<i32>} : memref<256xi32, #tpu.memory_space<vmem>>, vector<16xi32>,
            %swap3A_439 = arith.constant 96 : index
            %swap3A_440 = tpu.vector_load %arg12[%swap3A_439] {strides = array<i32>} : memref<256xi32, #tpu.memory_space<vmem>>, vector<16xi32>,
            tpu.vector_store %arg12[%swap3A_439], %get3A_438 {strides = array<i32>} : memref<256xi32, #tpu.memory_space<vmem>>, vector<16xi32>,
            %get3A_441 = arith.constant 224 : index
            %get3A_442 = tpu.vector_load %arg13[%get3A_441] {strides = array<i32>} : memref<256xf32, #tpu.memory_space<vmem>>, vector<16xf32>,
            %swap3A_443 = arith.constant 96 : index
            %swap3A_444 = tpu.vector_load %arg13[%swap3A_443] {strides = array<i32>} : memref<256xf32, #tpu.memory_space<vmem>>, vector<16xf32>,
            tpu.vector_store %arg13[%swap3A_443], %get3A_442 {strides = array<i32>} : memref<256xf32, #tpu.memory_space<vmem>>, vector<16xf32>,
            %get3A_445 = arith.constant 240 : index
            %get3A_446 = tpu.vector_load %arg12[%get3A_445] {strides = array<i32>} : memref<256xi32, #tpu.memory_space<vmem>>, vector<16xi32>,
            %swap3A_447 = arith.constant 112 : index
            %swap3A_448 = tpu.vector_load %arg12[%swap3A_447] {strides = array<i32>} : memref<256xi32, #tpu.memory_space<vmem>>, vector<16xi32>,
            tpu.vector_store %arg12[%swap3A_447], %get3A_446 {strides = array<i32>} : memref<256xi32, #tpu.memory_space<vmem>>, vector<16xi32>,
            %get3A_449 = arith.constant 240 : index
            %get3A_450 = tpu.vector_load %arg13[%get3A_449] {strides = array<i32>} : memref<256xf32, #tpu.memory_space<vmem>>, vector<16xf32>,
            %swap3A_451 = arith.constant 112 : index
            %swap3A_452 = tpu.vector_load %arg13[%swap3A_451] {strides = array<i32>} : memref<256xf32, #tpu.memory_space<vmem>>, vector<16xf32>,
            tpu.vector_store %arg13[%swap3A_451], %get3A_450 {strides = array<i32>} : memref<256xf32, #tpu.memory_space<vmem>>, vector<16xf32>,
            %dma_start3A_453 = arith.constant 0 : i32
            %dma_start3A_454 = tpu.memref_slice %arg11[%and3A_308, %dma_start3A_453] : memref<16x128xf32, #tpu.memory_space<vmem>> -> memref<1x128xf32, #tpu.memory_space<vmem>>
            %dma_start3A_455 = tpu.memref_squeeze %dma_start3A_454 : memref<1x128xf32, #tpu.memory_space<vmem>> -> memref<128xf32, #tpu.memory_space<vmem>>
            %dma_start3A_456 = arith.constant 0 : i32
            %dma_start3A_457 = tpu.memref_slice %arg10[%and3A_308, %dma_start3A_456] : memref<16x128xi32, #tpu.memory_space<vmem>> -> memref<1x128xi32, #tpu.memory_space<vmem>>
            %dma_start3A_458 = tpu.memref_squeeze %dma_start3A_457 : memref<1x128xi32, #tpu.memory_space<vmem>> -> memref<128xi32, #tpu.memory_space<vmem>>
            %dma_start3A_459 = arith.constant 0 : i32
            %dma_start3A_460 = tpu.memref_slice %arg5[%dma_start3A_459] : memref<1605632xf32, #tpu.memory_space<vmem_shared>> -> memref<1605632xf32, #tpu.memory_space<vmem_shared>>
            tpu.enqueue_indirect_dma source(%dma_start3A_455 : memref<128xf32, #tpu.memory_space<vmem>>) target(%dma_start3A_460 : memref<1605632xf32, #tpu.memory_space<vmem_shared>>) offsets(%dma_start3A_458 : memref<128xi32, #tpu.memory_space<vmem>>) semaphore(%arg18 : memref<!tpu.dma_semaphore, #tpu.memory_space<semaphore_mem>>) {add = true}
            %sub3A_461 = arith.subi %scan3A_119, %scan3A_120 : i32
            %ge3A_462 = arith.constant 8 : i32
            %ge3A_463 = arith.cmpi sge, %sub3A_461, %ge3A_462 : i32
            %convert_element_type3A_464 = arith.extui %ge3A_463 : i1 to i32
            %cond3A_465 = arith.constant 0 : i32
            %cond3A_466 = arith.cmpi ne, %convert_element_type3A_464, %cond3A_465 : i32
            scf.if %cond3A_466 {
              %dma_wait3A_467 = arith.constant 0 : i32
              %dma_wait3A_468 = arith.constant 0 : i32
              %dma_wait3A_469 = arith.constant 0 : i32
              %dma_wait3A_470 = tpu.memref_slice %arg11[%dma_wait3A_467, %dma_wait3A_469] : memref<16x128xf32, #tpu.memory_space<vmem>> -> memref<1x128xf32, #tpu.memory_space<vmem>>
              %dma_wait3A_471 = tpu.memref_squeeze %dma_wait3A_470 : memref<1x128xf32, #tpu.memory_space<vmem>> -> memref<128xf32, #tpu.memory_space<vmem>>
              %dma_wait3A_472 = arith.constant 0 : i32
              %dma_wait3A_473 = tpu.memref_slice %arg10[%dma_wait3A_468, %dma_wait3A_472] : memref<16x128xi32, #tpu.memory_space<vmem>> -> memref<1x128xi32, #tpu.memory_space<vmem>>
              %dma_wait3A_474 = tpu.memref_squeeze %dma_wait3A_473 : memref<1x128xi32, #tpu.memory_space<vmem>> -> memref<128xi32, #tpu.memory_space<vmem>>
              %dma_wait3A_475 = arith.constant 0 : i32
              %dma_wait3A_476 = tpu.memref_slice %arg5[%dma_wait3A_475] : memref<1605632xf32, #tpu.memory_space<vmem_shared>> -> memref<1605632xf32, #tpu.memory_space<vmem_shared>>
              tpu.wait_indirect_dma semaphore(%arg18 : memref<!tpu.dma_semaphore, #tpu.memory_space<semaphore_mem>>) src(%dma_wait3A_471 : memref<128xf32, #tpu.memory_space<vmem>>) dst(%dma_wait3A_476 : memref<1605632xf32, #tpu.memory_space<vmem_shared>>)
            } else {
            }
          } else {
          }
          %ge3A_294 = arith.constant 128 : i32
          %ge3A_295 = arith.cmpi sge, %add3A_258, %ge3A_294 : i32
          %sub3A_296 = arith.subi %scan3A_119, %scan3A_120 : i32
          %ge3A_297 = arith.constant 8 : i32
          %ge3A_298 = arith.cmpi sge, %sub3A_296, %ge3A_297 : i32
          %and3A = arith.andi %ge3A_295, %ge3A_298 : i1
          %sub3A_299 = arith.constant 128 : i32
          %sub3A_300 = arith.subi %add3A_258, %sub3A_299 : i32
          %select_n3A = arith.select %ge3A_295, %sub3A_300, %add3A_258 : i32
          %add3A_301 = arith.constant 1 : i32
          %add3A_302 = arith.addi %scan3A_119, %add3A_301 : i32
          %select_n3A_303 = arith.select %ge3A_295, %add3A_302, %scan3A_119 : i32
          %add3A_304 = arith.constant 1 : i32
          %add3A_305 = arith.addi %scan3A_120, %add3A_304 : i32
          %select_n3A_306 = arith.select %and3A, %add3A_305, %scan3A_120 : i32
          scf.yield %select_n3A, %select_n3A_303, %select_n3A_306 : i32, i32, i32
        }
        %scan3A_111 = arith.constant 42 : i32
        %lt3A_112 = arith.constant 55 : i32
        %lt3A_113 = arith.cmpi slt, %scan3A_77, %lt3A_112 : i32
        %convert_element_type3A_114 = arith.extui %lt3A_113 : i1 to i32
        %cond3A_115 = arith.constant 0 : i32
        %cond3A_116 = arith.cmpi ne, %convert_element_type3A_114, %cond3A_115 : i32
        scf.if %cond3A_116 {
          %mul3A_117 = arith.constant 2 : i32
          %mul3A_118 = arith.muli %mul3A_117, %scan3A_77 : i32
          %add3A_119 = arith.constant 3 : i32
          %add3A_120 = arith.addi %mul3A_118, %add3A_119 : i32
          %mul3A_121 = arith.constant 602112 : i32
          %mul3A_122 = arith.muli %arg1, %mul3A_121 : i32
          %mul3A_123 = arith.constant 5376 : i32
          %mul3A_124 = arith.muli %add3A_120, %mul3A_123 : i32
          %add3A_125 = arith.addi %mul3A_122, %mul3A_124 : i32
          %dma_start3A_126 = tpu.memref_slice %arg2[%add3A_125] : memref<9633792xi32, #tpu.memory_space<hbm>> -> memref<5376xi32, #tpu.memory_space<hbm>>
          %dma_start3A_127 = tpu.memref_slice %arg2[%add3A_125] : memref<9633792xi32, #tpu.memory_space<hbm>> -> memref<5376xi32, #tpu.memory_space<hbm>>
          tpu.enqueue_dma source(%dma_start3A_127 : memref<5376xi32, #tpu.memory_space<hbm>>) target(%arg8 : memref<5376xi32, #tpu.memory_space<vmem>>) target_semaphore(%arg16 : memref<!tpu.dma_semaphore, #tpu.memory_space<semaphore_mem>>)
          %dma_start3A_128 = tpu.memref_slice %arg3[%add3A_125] : memref<9633792xf32, #tpu.memory_space<hbm>> -> memref<5376xf32, #tpu.memory_space<hbm>>
          %dma_start3A_129 = tpu.memref_slice %arg3[%add3A_125] : memref<9633792xf32, #tpu.memory_space<hbm>> -> memref<5376xf32, #tpu.memory_space<hbm>>
          tpu.enqueue_dma source(%dma_start3A_129 : memref<5376xf32, #tpu.memory_space<hbm>>) target(%arg9 : memref<5376xf32, #tpu.memory_space<vmem>>) target_semaphore(%arg16 : memref<!tpu.dma_semaphore, #tpu.memory_space<semaphore_mem>>)
        } else {
        }
        scf.yield %scan3A_110#0, %scan3A_110#1, %scan3A_110#2 : i32, i32, i32
      }
      %scan3A_56 = arith.constant 56 : i32
      %while3A = arith.constant 0 : i32
      %while3A_57 = arith.subi %scan3A_55#1, %scan3A_55#2 : i32
      %while3A_58 = arith.addi %scan3A_55#2, %while3A_57 : i32
      %while3A_59 = arith.constant 1 : i32
      %while3A_60 = arith.divsi %while3A_57, %while3A_59 : i32
      %while3A_61 = arith.muli %while3A_60, %while3A_59 : i32
      %while3A_62 = arith.addi %scan3A_55#2, %while3A_61 : i32
      %while3A_63 = arith.constant 1 : i32
      %while3A_64 = scf.for %while3A_77 = %scan3A_55#2 to %while3A_62 step %while3A_63 iter_args(%while3A_78 = %while3A) -> (i32)  : i32 {
        %dma_wait3A = arith.constant 0 : i32
        %dma_wait3A_79 = arith.constant 0 : i32
        %dma_wait3A_80 = arith.constant 0 : i32
        %dma_wait3A_81 = tpu.memref_slice %arg11[%dma_wait3A, %dma_wait3A_80] : memref<16x128xf32, #tpu.memory_space<vmem>> -> memref<1x128xf32, #tpu.memory_space<vmem>>
        %dma_wait3A_82 = tpu.memref_squeeze %dma_wait3A_81 : memref<1x128xf32, #tpu.memory_space<vmem>> -> memref<128xf32, #tpu.memory_space<vmem>>
        %dma_wait3A_83 = arith.constant 0 : i32
        %dma_wait3A_84 = tpu.memref_slice %arg10[%dma_wait3A_79, %dma_wait3A_83] : memref<16x128xi32, #tpu.memory_space<vmem>> -> memref<1x128xi32, #tpu.memory_space<vmem>>
        %dma_wait3A_85 = tpu.memref_squeeze %dma_wait3A_84 : memref<1x128xi32, #tpu.memory_space<vmem>> -> memref<128xi32, #tpu.memory_space<vmem>>
        %dma_wait3A_86 = arith.constant 0 : i32
        %dma_wait3A_87 = tpu.memref_slice %arg5[%dma_wait3A_86] : memref<1605632xf32, #tpu.memory_space<vmem_shared>> -> memref<1605632xf32, #tpu.memory_space<vmem_shared>>
        tpu.wait_indirect_dma semaphore(%arg18 : memref<!tpu.dma_semaphore, #tpu.memory_space<semaphore_mem>>) src(%dma_wait3A_82 : memref<128xf32, #tpu.memory_space<vmem>>) dst(%dma_wait3A_87 : memref<1605632xf32, #tpu.memory_space<vmem_shared>>)
        %while3A_88 = arith.constant 0 : i32
        scf.yield %while3A_88 : i32
      }
      %while3A_65 = arith.constant 1 : i32
      %while3A_66 = scf.for %while3A_77 = %while3A_62 to %while3A_58 step %while3A_65 iter_args(%while3A_78 = %while3A_64) -> (i32)  : i32 {
        %dma_wait3A = arith.constant 0 : i32
        %dma_wait3A_79 = arith.constant 0 : i32
        %dma_wait3A_80 = arith.constant 0 : i32
        %dma_wait3A_81 = tpu.memref_slice %arg11[%dma_wait3A, %dma_wait3A_80] : memref<16x128xf32, #tpu.memory_space<vmem>> -> memref<1x128xf32, #tpu.memory_space<vmem>>
        %dma_wait3A_82 = tpu.memref_squeeze %dma_wait3A_81 : memref<1x128xf32, #tpu.memory_space<vmem>> -> memref<128xf32, #tpu.memory_space<vmem>>
        %dma_wait3A_83 = arith.constant 0 : i32
        %dma_wait3A_84 = tpu.memref_slice %arg10[%dma_wait3A_79, %dma_wait3A_83] : memref<16x128xi32, #tpu.memory_space<vmem>> -> memref<1x128xi32, #tpu.memory_space<vmem>>
        %dma_wait3A_85 = tpu.memref_squeeze %dma_wait3A_84 : memref<1x128xi32, #tpu.memory_space<vmem>> -> memref<128xi32, #tpu.memory_space<vmem>>
        %dma_wait3A_86 = arith.constant 0 : i32
        %dma_wait3A_87 = tpu.memref_slice %arg5[%dma_wait3A_86] : memref<1605632xf32, #tpu.memory_space<vmem_shared>> -> memref<1605632xf32, #tpu.memory_space<vmem_shared>>
        tpu.wait_indirect_dma semaphore(%arg18 : memref<!tpu.dma_semaphore, #tpu.memory_space<semaphore_mem>>) src(%dma_wait3A_82 : memref<128xf32, #tpu.memory_space<vmem>>) dst(%dma_wait3A_87 : memref<1605632xf32, #tpu.memory_space<vmem_shared>>)
        %while3A_88 = arith.constant 0 : i32
        scf.yield %while3A_88 : i32
      }
      %gt3A = arith.constant 0 : i32
      %gt3A_67 = arith.cmpi sgt, %scan3A_55#0, %gt3A : i32
      %convert_element_type3A = arith.extui %gt3A_67 : i1 to i32
      %cond3A = arith.constant 0 : i32
      %cond3A_68 = arith.cmpi ne, %convert_element_type3A, %cond3A : i32
      scf.if %cond3A_68 {
        %and3A = arith.constant 15 : i32
        %and3A_77 = arith.andi %scan3A_55#1, %and3A : i32
        %add3A_78 = arith.constant 0 : i32
        %add3A_79 = vector.broadcast %add3A_78 : i32 to vector<16xi32>
        %add3A_80 = arith.addi %iota3A, %add3A_79 : vector<16xi32>
        %lt3A = vector.broadcast %scan3A_55#0 : i32 to vector<16xi32>
        %lt3A_81 = arith.cmpi slt, %add3A_80, %lt3A : vector<16xi32>
        %get3A = arith.constant 0 : index
        %get3A_82 = tpu.vector_load %arg13[%get3A] {strides = array<i32>} : memref<256xf32, #tpu.memory_space<vmem>>, vector<16xf32>,
        %jit3A = arith.constant 0.000000e+00 : f32
        %broadcast_in_dim3A_83 = vector.broadcast %jit3A : f32 to vector<16xf32>
        %select_n3A = arith.select %lt3A_81, %get3A_82, %broadcast_in_dim3A_83 : vector<16xi1>, vector<16xf32>
        %swap3A = arith.index_cast %and3A_77 : i32 to index
        %swap3A_84 = arith.constant 0 : index
        %swap3A_85 = tpu.vector_load %arg11[%swap3A, %swap3A_84] {strides = array<i32>} : memref<16x128xf32, #tpu.memory_space<vmem>>, vector<16xf32>,
        tpu.vector_store %arg11[%swap3A, %swap3A_84], %select_n3A {strides = array<i32>} : memref<16x128xf32, #tpu.memory_space<vmem>>, vector<16xf32>,
        %get3A_86 = arith.constant 0 : index
        %get3A_87 = tpu.vector_load %arg12[%get3A_86] {strides = array<i32>} : memref<256xi32, #tpu.memory_space<vmem>>, vector<16xi32>,
        %add3A_88 = arith.constant 0 : i32
        %add3A_89 = vector.broadcast %add3A_88 : i32 to vector<16xi32>
        %add3A_90 = arith.addi %iota3A, %add3A_89 : vector<16xi32>
        %mul3A_91 = arith.constant 52 : i32
        %mul3A_92 = vector.broadcast %mul3A_91 : i32 to vector<16xi32>
        %mul3A_93 = arith.muli %add3A_90, %mul3A_92 : vector<16xi32>
        %select_n3A_94 = arith.select %lt3A_81, %get3A_87, %mul3A_93 : vector<16xi1>, vector<16xi32>
        %swap3A_95 = arith.index_cast %and3A_77 : i32 to index
        %swap3A_96 = arith.constant 0 : index
        %swap3A_97 = tpu.vector_load %arg10[%swap3A_95, %swap3A_96] {strides = array<i32>} : memref<16x128xi32, #tpu.memory_space<vmem>>, vector<16xi32>,
        tpu.vector_store %arg10[%swap3A_95, %swap3A_96], %select_n3A_94 {strides = array<i32>} : memref<16x128xi32, #tpu.memory_space<vmem>>, vector<16xi32>,
        %add3A_98 = arith.constant 16 : i32
        %add3A_99 = vector.broadcast %add3A_98 : i32 to vector<16xi32>
        %add3A_100 = arith.addi %iota3A, %add3A_99 : vector<16xi32>
        %lt3A_101 = vector.broadcast %scan3A_55#0 : i32 to vector<16xi32>
        %lt3A_102 = arith.cmpi slt, %add3A_100, %lt3A_101 : vector<16xi32>
        %get3A_103 = arith.constant 16 : index
        %get3A_104 = tpu.vector_load %arg13[%get3A_103] {strides = array<i32>} : memref<256xf32, #tpu.memory_space<vmem>>, vector<16xf32>,
        %jit3A_105 = arith.constant 0.000000e+00 : f32
        %broadcast_in_dim3A_106 = vector.broadcast %jit3A_105 : f32 to vector<16xf32>
        %select_n3A_107 = arith.select %lt3A_102, %get3A_104, %broadcast_in_dim3A_106 : vector<16xi1>, vector<16xf32>
        %swap3A_108 = arith.index_cast %and3A_77 : i32 to index
        %swap3A_109 = arith.constant 16 : index
        %swap3A_110 = tpu.vector_load %arg11[%swap3A_108, %swap3A_109] {strides = array<i32>} : memref<16x128xf32, #tpu.memory_space<vmem>>, vector<16xf32>,
        tpu.vector_store %arg11[%swap3A_108, %swap3A_109], %select_n3A_107 {strides = array<i32>} : memref<16x128xf32, #tpu.memory_space<vmem>>, vector<16xf32>,
        %get3A_111 = arith.constant 16 : index
        %get3A_112 = tpu.vector_load %arg12[%get3A_111] {strides = array<i32>} : memref<256xi32, #tpu.memory_space<vmem>>, vector<16xi32>,
        %add3A_113 = arith.constant 16 : i32
        %add3A_114 = vector.broadcast %add3A_113 : i32 to vector<16xi32>
        %add3A_115 = arith.addi %iota3A, %add3A_114 : vector<16xi32>
        %mul3A_116 = arith.constant 52 : i32
        %mul3A_117 = vector.broadcast %mul3A_116 : i32 to vector<16xi32>
        %mul3A_118 = arith.muli %add3A_115, %mul3A_117 : vector<16xi32>
        %select_n3A_119 = arith.select %lt3A_102, %get3A_112, %mul3A_118 : vector<16xi1>, vector<16xi32>
        %swap3A_120 = arith.index_cast %and3A_77 : i32 to index
        %swap3A_121 = arith.constant 16 : index
        %swap3A_122 = tpu.vector_load %arg10[%swap3A_120, %swap3A_121] {strides = array<i32>} : memref<16x128xi32, #tpu.memory_space<vmem>>, vector<16xi32>,
        tpu.vector_store %arg10[%swap3A_120, %swap3A_121], %select_n3A_119 {strides = array<i32>} : memref<16x128xi32, #tpu.memory_space<vmem>>, vector<16xi32>,
        %add3A_123 = arith.constant 32 : i32
        %add3A_124 = vector.broadcast %add3A_123 : i32 to vector<16xi32>
        %add3A_125 = arith.addi %iota3A, %add3A_124 : vector<16xi32>
        %lt3A_126 = vector.broadcast %scan3A_55#0 : i32 to vector<16xi32>
        %lt3A_127 = arith.cmpi slt, %add3A_125, %lt3A_126 : vector<16xi32>
        %get3A_128 = arith.constant 32 : index
        %get3A_129 = tpu.vector_load %arg13[%get3A_128] {strides = array<i32>} : memref<256xf32, #tpu.memory_space<vmem>>, vector<16xf32>,
        %jit3A_130 = arith.constant 0.000000e+00 : f32
        %broadcast_in_dim3A_131 = vector.broadcast %jit3A_130 : f32 to vector<16xf32>
        %select_n3A_132 = arith.select %lt3A_127, %get3A_129, %broadcast_in_dim3A_131 : vector<16xi1>, vector<16xf32>
        %swap3A_133 = arith.index_cast %and3A_77 : i32 to index
        %swap3A_134 = arith.constant 32 : index
        %swap3A_135 = tpu.vector_load %arg11[%swap3A_133, %swap3A_134] {strides = array<i32>} : memref<16x128xf32, #tpu.memory_space<vmem>>, vector<16xf32>,
        tpu.vector_store %arg11[%swap3A_133, %swap3A_134], %select_n3A_132 {strides = array<i32>} : memref<16x128xf32, #tpu.memory_space<vmem>>, vector<16xf32>,
        %get3A_136 = arith.constant 32 : index
        %get3A_137 = tpu.vector_load %arg12[%get3A_136] {strides = array<i32>} : memref<256xi32, #tpu.memory_space<vmem>>, vector<16xi32>,
        %add3A_138 = arith.constant 32 : i32
        %add3A_139 = vector.broadcast %add3A_138 : i32 to vector<16xi32>
        %add3A_140 = arith.addi %iota3A, %add3A_139 : vector<16xi32>
        %mul3A_141 = arith.constant 52 : i32
        %mul3A_142 = vector.broadcast %mul3A_141 : i32 to vector<16xi32>
        %mul3A_143 = arith.muli %add3A_140, %mul3A_142 : vector<16xi32>
        %select_n3A_144 = arith.select %lt3A_127, %get3A_137, %mul3A_143 : vector<16xi1>, vector<16xi32>
        %swap3A_145 = arith.index_cast %and3A_77 : i32 to index
        %swap3A_146 = arith.constant 32 : index
        %swap3A_147 = tpu.vector_load %arg10[%swap3A_145, %swap3A_146] {strides = array<i32>} : memref<16x128xi32, #tpu.memory_space<vmem>>, vector<16xi32>,
        tpu.vector_store %arg10[%swap3A_145, %swap3A_146], %select_n3A_144 {strides = array<i32>} : memref<16x128xi32, #tpu.memory_space<vmem>>, vector<16xi32>,
        %add3A_148 = arith.constant 48 : i32
        %add3A_149 = vector.broadcast %add3A_148 : i32 to vector<16xi32>
        %add3A_150 = arith.addi %iota3A, %add3A_149 : vector<16xi32>
        %lt3A_151 = vector.broadcast %scan3A_55#0 : i32 to vector<16xi32>
        %lt3A_152 = arith.cmpi slt, %add3A_150, %lt3A_151 : vector<16xi32>
        %get3A_153 = arith.constant 48 : index
        %get3A_154 = tpu.vector_load %arg13[%get3A_153] {strides = array<i32>} : memref<256xf32, #tpu.memory_space<vmem>>, vector<16xf32>,
        %jit3A_155 = arith.constant 0.000000e+00 : f32
        %broadcast_in_dim3A_156 = vector.broadcast %jit3A_155 : f32 to vector<16xf32>
        %select_n3A_157 = arith.select %lt3A_152, %get3A_154, %broadcast_in_dim3A_156 : vector<16xi1>, vector<16xf32>
        %swap3A_158 = arith.index_cast %and3A_77 : i32 to index
        %swap3A_159 = arith.constant 48 : index
        %swap3A_160 = tpu.vector_load %arg11[%swap3A_158, %swap3A_159] {strides = array<i32>} : memref<16x128xf32, #tpu.memory_space<vmem>>, vector<16xf32>,
        tpu.vector_store %arg11[%swap3A_158, %swap3A_159], %select_n3A_157 {strides = array<i32>} : memref<16x128xf32, #tpu.memory_space<vmem>>, vector<16xf32>,
        %get3A_161 = arith.constant 48 : index
        %get3A_162 = tpu.vector_load %arg12[%get3A_161] {strides = array<i32>} : memref<256xi32, #tpu.memory_space<vmem>>, vector<16xi32>,
        %add3A_163 = arith.constant 48 : i32
        %add3A_164 = vector.broadcast %add3A_163 : i32 to vector<16xi32>
        %add3A_165 = arith.addi %iota3A, %add3A_164 : vector<16xi32>
        %mul3A_166 = arith.constant 52 : i32
        %mul3A_167 = vector.broadcast %mul3A_166 : i32 to vector<16xi32>
        %mul3A_168 = arith.muli %add3A_165, %mul3A_167 : vector<16xi32>
        %select_n3A_169 = arith.select %lt3A_152, %get3A_162, %mul3A_168 : vector<16xi1>, vector<16xi32>
        %swap3A_170 = arith.index_cast %and3A_77 : i32 to index
        %swap3A_171 = arith.constant 48 : index
        %swap3A_172 = tpu.vector_load %arg10[%swap3A_170, %swap3A_171] {strides = array<i32>} : memref<16x128xi32, #tpu.memory_space<vmem>>, vector<16xi32>,
        tpu.vector_store %arg10[%swap3A_170, %swap3A_171], %select_n3A_169 {strides = array<i32>} : memref<16x128xi32, #tpu.memory_space<vmem>>, vector<16xi32>,
        %add3A_173 = arith.constant 64 : i32
        %add3A_174 = vector.broadcast %add3A_173 : i32 to vector<16xi32>
        %add3A_175 = arith.addi %iota3A, %add3A_174 : vector<16xi32>
        %lt3A_176 = vector.broadcast %scan3A_55#0 : i32 to vector<16xi32>
        %lt3A_177 = arith.cmpi slt, %add3A_175, %lt3A_176 : vector<16xi32>
        %get3A_178 = arith.constant 64 : index
        %get3A_179 = tpu.vector_load %arg13[%get3A_178] {strides = array<i32>} : memref<256xf32, #tpu.memory_space<vmem>>, vector<16xf32>,
        %jit3A_180 = arith.constant 0.000000e+00 : f32
        %broadcast_in_dim3A_181 = vector.broadcast %jit3A_180 : f32 to vector<16xf32>
        %select_n3A_182 = arith.select %lt3A_177, %get3A_179, %broadcast_in_dim3A_181 : vector<16xi1>, vector<16xf32>
        %swap3A_183 = arith.index_cast %and3A_77 : i32 to index
        %swap3A_184 = arith.constant 64 : index
        %swap3A_185 = tpu.vector_load %arg11[%swap3A_183, %swap3A_184] {strides = array<i32>} : memref<16x128xf32, #tpu.memory_space<vmem>>, vector<16xf32>,
        tpu.vector_store %arg11[%swap3A_183, %swap3A_184], %select_n3A_182 {strides = array<i32>} : memref<16x128xf32, #tpu.memory_space<vmem>>, vector<16xf32>,
        %get3A_186 = arith.constant 64 : index
        %get3A_187 = tpu.vector_load %arg12[%get3A_186] {strides = array<i32>} : memref<256xi32, #tpu.memory_space<vmem>>, vector<16xi32>,
        %add3A_188 = arith.constant 64 : i32
        %add3A_189 = vector.broadcast %add3A_188 : i32 to vector<16xi32>
        %add3A_190 = arith.addi %iota3A, %add3A_189 : vector<16xi32>
        %mul3A_191 = arith.constant 52 : i32
        %mul3A_192 = vector.broadcast %mul3A_191 : i32 to vector<16xi32>
        %mul3A_193 = arith.muli %add3A_190, %mul3A_192 : vector<16xi32>
        %select_n3A_194 = arith.select %lt3A_177, %get3A_187, %mul3A_193 : vector<16xi1>, vector<16xi32>
        %swap3A_195 = arith.index_cast %and3A_77 : i32 to index
        %swap3A_196 = arith.constant 64 : index
        %swap3A_197 = tpu.vector_load %arg10[%swap3A_195, %swap3A_196] {strides = array<i32>} : memref<16x128xi32, #tpu.memory_space<vmem>>, vector<16xi32>,
        tpu.vector_store %arg10[%swap3A_195, %swap3A_196], %select_n3A_194 {strides = array<i32>} : memref<16x128xi32, #tpu.memory_space<vmem>>, vector<16xi32>,
        %add3A_198 = arith.constant 80 : i32
        %add3A_199 = vector.broadcast %add3A_198 : i32 to vector<16xi32>
        %add3A_200 = arith.addi %iota3A, %add3A_199 : vector<16xi32>
        %lt3A_201 = vector.broadcast %scan3A_55#0 : i32 to vector<16xi32>
        %lt3A_202 = arith.cmpi slt, %add3A_200, %lt3A_201 : vector<16xi32>
        %get3A_203 = arith.constant 80 : index
        %get3A_204 = tpu.vector_load %arg13[%get3A_203] {strides = array<i32>} : memref<256xf32, #tpu.memory_space<vmem>>, vector<16xf32>,
        %jit3A_205 = arith.constant 0.000000e+00 : f32
        %broadcast_in_dim3A_206 = vector.broadcast %jit3A_205 : f32 to vector<16xf32>
        %select_n3A_207 = arith.select %lt3A_202, %get3A_204, %broadcast_in_dim3A_206 : vector<16xi1>, vector<16xf32>
        %swap3A_208 = arith.index_cast %and3A_77 : i32 to index
        %swap3A_209 = arith.constant 80 : index
        %swap3A_210 = tpu.vector_load %arg11[%swap3A_208, %swap3A_209] {strides = array<i32>} : memref<16x128xf32, #tpu.memory_space<vmem>>, vector<16xf32>,
        tpu.vector_store %arg11[%swap3A_208, %swap3A_209], %select_n3A_207 {strides = array<i32>} : memref<16x128xf32, #tpu.memory_space<vmem>>, vector<16xf32>,
        %get3A_211 = arith.constant 80 : index
        %get3A_212 = tpu.vector_load %arg12[%get3A_211] {strides = array<i32>} : memref<256xi32, #tpu.memory_space<vmem>>, vector<16xi32>,
        %add3A_213 = arith.constant 80 : i32
        %add3A_214 = vector.broadcast %add3A_213 : i32 to vector<16xi32>
        %add3A_215 = arith.addi %iota3A, %add3A_214 : vector<16xi32>
        %mul3A_216 = arith.constant 52 : i32
        %mul3A_217 = vector.broadcast %mul3A_216 : i32 to vector<16xi32>
        %mul3A_218 = arith.muli %add3A_215, %mul3A_217 : vector<16xi32>
        %select_n3A_219 = arith.select %lt3A_202, %get3A_212, %mul3A_218 : vector<16xi1>, vector<16xi32>
        %swap3A_220 = arith.index_cast %and3A_77 : i32 to index
        %swap3A_221 = arith.constant 80 : index
        %swap3A_222 = tpu.vector_load %arg10[%swap3A_220, %swap3A_221] {strides = array<i32>} : memref<16x128xi32, #tpu.memory_space<vmem>>, vector<16xi32>,
        tpu.vector_store %arg10[%swap3A_220, %swap3A_221], %select_n3A_219 {strides = array<i32>} : memref<16x128xi32, #tpu.memory_space<vmem>>, vector<16xi32>,
        %add3A_223 = arith.constant 96 : i32
        %add3A_224 = vector.broadcast %add3A_223 : i32 to vector<16xi32>
        %add3A_225 = arith.addi %iota3A, %add3A_224 : vector<16xi32>
        %lt3A_226 = vector.broadcast %scan3A_55#0 : i32 to vector<16xi32>
        %lt3A_227 = arith.cmpi slt, %add3A_225, %lt3A_226 : vector<16xi32>
        %get3A_228 = arith.constant 96 : index
        %get3A_229 = tpu.vector_load %arg13[%get3A_228] {strides = array<i32>} : memref<256xf32, #tpu.memory_space<vmem>>, vector<16xf32>,
        %jit3A_230 = arith.constant 0.000000e+00 : f32
        %broadcast_in_dim3A_231 = vector.broadcast %jit3A_230 : f32 to vector<16xf32>
        %select_n3A_232 = arith.select %lt3A_227, %get3A_229, %broadcast_in_dim3A_231 : vector<16xi1>, vector<16xf32>
        %swap3A_233 = arith.index_cast %and3A_77 : i32 to index
        %swap3A_234 = arith.constant 96 : index
        %swap3A_235 = tpu.vector_load %arg11[%swap3A_233, %swap3A_234] {strides = array<i32>} : memref<16x128xf32, #tpu.memory_space<vmem>>, vector<16xf32>,
        tpu.vector_store %arg11[%swap3A_233, %swap3A_234], %select_n3A_232 {strides = array<i32>} : memref<16x128xf32, #tpu.memory_space<vmem>>, vector<16xf32>,
        %get3A_236 = arith.constant 96 : index
        %get3A_237 = tpu.vector_load %arg12[%get3A_236] {strides = array<i32>} : memref<256xi32, #tpu.memory_space<vmem>>, vector<16xi32>,
        %add3A_238 = arith.constant 96 : i32
        %add3A_239 = vector.broadcast %add3A_238 : i32 to vector<16xi32>
        %add3A_240 = arith.addi %iota3A, %add3A_239 : vector<16xi32>
        %mul3A_241 = arith.constant 52 : i32
        %mul3A_242 = vector.broadcast %mul3A_241 : i32 to vector<16xi32>
        %mul3A_243 = arith.muli %add3A_240, %mul3A_242 : vector<16xi32>
        %select_n3A_244 = arith.select %lt3A_227, %get3A_237, %mul3A_243 : vector<16xi1>, vector<16xi32>
        %swap3A_245 = arith.index_cast %and3A_77 : i32 to index
        %swap3A_246 = arith.constant 96 : index
        %swap3A_247 = tpu.vector_load %arg10[%swap3A_245, %swap3A_246] {strides = array<i32>} : memref<16x128xi32, #tpu.memory_space<vmem>>, vector<16xi32>,
        tpu.vector_store %arg10[%swap3A_245, %swap3A_246], %select_n3A_244 {strides = array<i32>} : memref<16x128xi32, #tpu.memory_space<vmem>>, vector<16xi32>,
        %add3A_248 = arith.constant 112 : i32
        %add3A_249 = vector.broadcast %add3A_248 : i32 to vector<16xi32>
        %add3A_250 = arith.addi %iota3A, %add3A_249 : vector<16xi32>
        %lt3A_251 = vector.broadcast %scan3A_55#0 : i32 to vector<16xi32>
        %lt3A_252 = arith.cmpi slt, %add3A_250, %lt3A_251 : vector<16xi32>
        %get3A_253 = arith.constant 112 : index
        %get3A_254 = tpu.vector_load %arg13[%get3A_253] {strides = array<i32>} : memref<256xf32, #tpu.memory_space<vmem>>, vector<16xf32>,
        %jit3A_255 = arith.constant 0.000000e+00 : f32
        %broadcast_in_dim3A_256 = vector.broadcast %jit3A_255 : f32 to vector<16xf32>
        %select_n3A_257 = arith.select %lt3A_252, %get3A_254, %broadcast_in_dim3A_256 : vector<16xi1>, vector<16xf32>
        %swap3A_258 = arith.index_cast %and3A_77 : i32 to index
        %swap3A_259 = arith.constant 112 : index
        %swap3A_260 = tpu.vector_load %arg11[%swap3A_258, %swap3A_259] {strides = array<i32>} : memref<16x128xf32, #tpu.memory_space<vmem>>, vector<16xf32>,
        tpu.vector_store %arg11[%swap3A_258, %swap3A_259], %select_n3A_257 {strides = array<i32>} : memref<16x128xf32, #tpu.memory_space<vmem>>, vector<16xf32>,
        %get3A_261 = arith.constant 112 : index
        %get3A_262 = tpu.vector_load %arg12[%get3A_261] {strides = array<i32>} : memref<256xi32, #tpu.memory_space<vmem>>, vector<16xi32>,
        %add3A_263 = arith.constant 112 : i32
        %add3A_264 = vector.broadcast %add3A_263 : i32 to vector<16xi32>
        %add3A_265 = arith.addi %iota3A, %add3A_264 : vector<16xi32>
        %mul3A_266 = arith.constant 52 : i32
        %mul3A_267 = vector.broadcast %mul3A_266 : i32 to vector<16xi32>
        %mul3A_268 = arith.muli %add3A_265, %mul3A_267 : vector<16xi32>
        %select_n3A_269 = arith.select %lt3A_252, %get3A_262, %mul3A_268 : vector<16xi1>, vector<16xi32>
        %swap3A_270 = arith.index_cast %and3A_77 : i32 to index
        %swap3A_271 = arith.constant 112 : index
        %swap3A_272 = tpu.vector_load %arg10[%swap3A_270, %swap3A_271] {strides = array<i32>} : memref<16x128xi32, #tpu.memory_space<vmem>>, vector<16xi32>,
        tpu.vector_store %arg10[%swap3A_270, %swap3A_271], %select_n3A_269 {strides = array<i32>} : memref<16x128xi32, #tpu.memory_space<vmem>>, vector<16xi32>,
        "tpu.region"() ({
          %run_scoped3A = tpu.sem_alloc : memref<!tpu.dma_semaphore, #tpu.memory_space<semaphore_mem>>
          %dma_start3A_273 = arith.constant 0 : i32
          %dma_start3A_274 = tpu.memref_slice %arg11[%and3A_77, %dma_start3A_273] : memref<16x128xf32, #tpu.memory_space<vmem>> -> memref<1x128xf32, #tpu.memory_space<vmem>>
          %dma_start3A_275 = tpu.memref_squeeze %dma_start3A_274 : memref<1x128xf32, #tpu.memory_space<vmem>> -> memref<128xf32, #tpu.memory_space<vmem>>
          %dma_start3A_276 = arith.constant 0 : i32
          %dma_start3A_277 = tpu.memref_slice %arg10[%and3A_77, %dma_start3A_276] : memref<16x128xi32, #tpu.memory_space<vmem>> -> memref<1x128xi32, #tpu.memory_space<vmem>>
          %dma_start3A_278 = tpu.memref_squeeze %dma_start3A_277 : memref<1x128xi32, #tpu.memory_space<vmem>> -> memref<128xi32, #tpu.memory_space<vmem>>
          %dma_start3A_279 = arith.constant 0 : i32
          %dma_start3A_280 = tpu.memref_slice %arg5[%dma_start3A_279] : memref<1605632xf32, #tpu.memory_space<vmem_shared>> -> memref<1605632xf32, #tpu.memory_space<vmem_shared>>
          tpu.enqueue_indirect_dma source(%dma_start3A_275 : memref<128xf32, #tpu.memory_space<vmem>>) target(%dma_start3A_280 : memref<1605632xf32, #tpu.memory_space<vmem_shared>>) offsets(%dma_start3A_278 : memref<128xi32, #tpu.memory_space<vmem>>) semaphore(%run_scoped3A : memref<!tpu.dma_semaphore, #tpu.memory_space<semaphore_mem>>) {add = true}
          %dma_wait3A = arith.constant 0 : i32
          %dma_wait3A_281 = tpu.memref_slice %arg11[%and3A_77, %dma_wait3A] : memref<16x128xf32, #tpu.memory_space<vmem>> -> memref<1x128xf32, #tpu.memory_space<vmem>>
          %dma_wait3A_282 = tpu.memref_squeeze %dma_wait3A_281 : memref<1x128xf32, #tpu.memory_space<vmem>> -> memref<128xf32, #tpu.memory_space<vmem>>
          %dma_wait3A_283 = arith.constant 0 : i32
          %dma_wait3A_284 = tpu.memref_slice %arg10[%and3A_77, %dma_wait3A_283] : memref<16x128xi32, #tpu.memory_space<vmem>> -> memref<1x128xi32, #tpu.memory_space<vmem>>
          %dma_wait3A_285 = tpu.memref_squeeze %dma_wait3A_284 : memref<1x128xi32, #tpu.memory_space<vmem>> -> memref<128xi32, #tpu.memory_space<vmem>>
          %dma_wait3A_286 = arith.constant 0 : i32
          %dma_wait3A_287 = tpu.memref_slice %arg5[%dma_wait3A_286] : memref<1605632xf32, #tpu.memory_space<vmem_shared>> -> memref<1605632xf32, #tpu.memory_space<vmem_shared>>
          tpu.wait_indirect_dma semaphore(%run_scoped3A : memref<!tpu.dma_semaphore, #tpu.memory_space<semaphore_mem>>) src(%dma_wait3A_282 : memref<128xf32, #tpu.memory_space<vmem>>) dst(%dma_wait3A_287 : memref<1605632xf32, #tpu.memory_space<vmem_shared>>)
          tpu.yield
        }) : () -> ()
      } else {
      }
      %barrier3A_69 = arith.constant 0 : index
      tpu.barrier barrier_id(%barrier3A_69)
      %mul3A_70 = arith.constant 100352 : i32
      %mul3A_71 = arith.muli %arg1, %mul3A_70 : i32
      %mul3A_72 = arith.constant 100352 : i32
      %mul3A_73 = arith.muli %arg1, %mul3A_72 : i32
      %add3A_74 = arith.addi %mul3A_18, %mul3A_73 : i32
      "tpu.region"() ({
        %run_scoped3A = tpu.sem_alloc : memref<!tpu.dma_semaphore, #tpu.memory_space<semaphore_mem>>
        %dma_start3A_77 = tpu.memref_slice %arg4[%add3A_74] : memref<38535168xf32, #tpu.memory_space<hbm>> -> memref<100352xf32, #tpu.memory_space<hbm>>
        %dma_start3A_78 = tpu.memref_slice %arg5[%mul3A_71] : memref<1605632xf32, #tpu.memory_space<vmem_shared>> -> memref<100352xf32, #tpu.memory_space<vmem_shared>>
        tpu.enqueue_dma source(%dma_start3A_78 : memref<100352xf32, #tpu.memory_space<vmem_shared>>) target(%dma_start3A_77 : memref<100352xf32, #tpu.memory_space<hbm>>) target_semaphore(%run_scoped3A : memref<!tpu.dma_semaphore, #tpu.memory_space<semaphore_mem>>)
        %dma_wait3A = tpu.memref_slice %arg4[%add3A_74] : memref<38535168xf32, #tpu.memory_space<hbm>> -> memref<100352xf32, #tpu.memory_space<hbm>>
        %dma_wait3A_79 = tpu.memref_slice %arg5[%mul3A_71] : memref<1605632xf32, #tpu.memory_space<vmem_shared>> -> memref<100352xf32, #tpu.memory_space<vmem_shared>>
        tpu.wait_dma2 semaphore(%run_scoped3A : memref<!tpu.dma_semaphore, #tpu.memory_space<semaphore_mem>>) src(%dma_wait3A_79 : memref<100352xf32, #tpu.memory_space<vmem_shared>>) dst(%dma_wait3A : memref<100352xf32, #tpu.memory_space<hbm>>)
        tpu.yield
      }) : () -> ()
      %barrier3A_75 = arith.constant 0 : index
      tpu.barrier barrier_id(%barrier3A_75)
      %scan3A_76 = arith.constant 0 : i32
      scf.yield %scan3A_76 : i32
    }
    %scan3A_13 = arith.constant 12 : i32
    return
  }
}

</mosaic_0001>

<sc_bundles>
// kernel: kernel.3.cloned.1.call-start
scs
__scs_entry_jumppad:
0x0: {  	(pc) =	sbr.rel $0x88, $3  }
0x1: {  	(tag) =	ssettag $0x0;
	lr =	simm.s32 $0x1  }
0x2: {  	[smem:$0x3F9F] =	sst lr;
	_ =	strace $0xD0000000  }
0x3: {  	_ = 	snop  }
0x4: {  	_ = 	snop  }
0x5: {  	_ = 	snop  }
0x6: {  	_ = 	snop  }
0x7: {  	_ = 	snop  }
__scs_overlays_trampoline_lowered:
0x8: {  	[smem:$0x3FAE] =	sst s0  }
0x9: {  	[smem:$0x3FAF] =	sst s1  }
0xa: {  	[smem:$0x3FB0] =	sst s2  }
0xb: {  	[smem:$0x3FB1] =	sst s3  }
0xc: {  	[smem:$0x3FB2] =	sst s4  }
0xd: {  	[smem:$0x3FB3] =	sst s5  }
0xe: {  	[smem:$0x3FB4] =	sst s6  }
0xf: {  	[smem:$0x3FB5] =	sst s7  }
0x10: {  	[smem:$0x3FB6] =	sst s8  }
0x11: {  	[smem:$0x3FB7] =	sst s9;
	s0 =	simm.s32 @!p0 $0x0  }
0x12: {  	s1 =	sld [smem:$0x3F9D];
	s0 =	simm.s32 @p0 $0x1  }
0x13: {  	[smem:$0x3FB8] =	sst s0;
	s0 =	simm.s32 @!p1 $0x0  }
0x14: {  	s2 =	sld [smem:$0x3F9C];
	s0 =	simm.s32 @p1 $0x1  }
0x15: {  	[smem:$0x3FB9] =	sst s0;
	s0 =	simm.s32 @!p2 $0x0  }
0x16: {  	s3 =	sld [smem:$0x3FDB];
	s0 =	simm.s32 @p2 $0x1  }
0x17: {  	s4 =	simm.s32 $0x1BF5;
	[smem:$0x3FBB] =	sst s0  }
0x18: {  	s0 =	sld [smem:$0x3F9E];
	_ =	swait.ge [sflag:s4], $0x0  }
0x19: {  	s7 =	sld [smem:$0x3F9F]  }
0x1a: {  	s8 =	sadd.s32 $0xFFFFE003, lr  }
0x1b: {  	s9 =	sadd.s32 $0xFFFFFEF7, lr;
	s5 =	simm.s32 $0xFFFFFFFF;
	p2 =	slt.u32 s8, $0xFFFFF086  }
0x1c: {  	p1 =	slt.u32 s9, $0xF7A;
	s5 =	simm.s32 @!p2 $0x0  }
0x1d: {  	s5 =	simm.s32 @p1 $0x1;
	p0 =	seq.s32 s7, s2  }
0x1e: {  	s7 =	smul.u32 @!p0 $0xF7A, s2;
	p2 =	seq.s32 @!p0 s5, $0x0  }
0x1f: {  	s9 =	smul.u32 $0xF7A, s1;
	s8 =	simm.s32 @!p0 $0x1BF5;
	p2 =	por !p2, p0  }
0x20: {  	[sflag:s8] =	ssyncset.s32 @!p0 $0xFFFFF086;
	s6 =	sadd.s32 @!p0 s3, s7;
	s7 =	simm.s32 @!p0 $0x108  }
0x21: {  	s3 =	sadd.s32 s3, s9;
	s6 =	sadd.s32 @!p0 $0x88, s6;
	s7 =	simm.s32 @p2 $0x1082  }
0x22: {  	[simem:s7], [sflag:s8] =	dma.local @!p0 [hbm:s6], $0xF7A  }
0x23: {  	s9 =	sor.u32 $0xD0000000, s2;
	s6 =	simm.s32 $0x108;
	_ =	swait.ge @!p0 [sflag:s8], $0x0  }
0x24: {  	s3 =	sadd.s32 $0x88, s3;
	s6 =	simm.s32 @!p1 $0x1082;
	[sflag:s4] =	ssyncset.s32 $0xFFFFF086  }
0x25: {  	[simem:s6], [sflag:s4] =	dma.local [hbm:s3], $0xF7A  }
0x26: {  	[smem:$0x3F9F] =	sst s1;
	(tag) =	ssettag s2;
	_ =	strace s9  }
0x27: {  	s1 =	sld [smem:$0x3FAF]  }
0x28: {  	s2 =	sld [smem:$0x3FB0]  }
0x29: {  	s4 =	sld [smem:$0x3FB2]  }
0x2a: {  	p0 =	seq.s32 s5, $0x0;
	s5 =	sld [smem:$0x3FB3]  }
0x2b: {  	s6 =	sld [smem:$0x3FB4]  }
0x2c: {  	s7 =	sld [smem:$0x3FB5]  }
0x2d: {  	s3 =	simm.s32 $0x108;
	s8 =	sld [smem:$0x3FB6]  }
0x2e: {  	s3 =	simm.s32 @!p0 $0x1082;
	s9 =	sld [smem:$0x3FB7]  }
0x2f: {  	lr =	sadd.s32 s0, s3;
	s0 =	sld [smem:$0x3FAE]  }
0x30: {  	s3 =	sld [smem:$0x3FB1]  }
0x31: {  	[smem:$0x3FBA] =	sst s10  }
0x32: {  	s10 =	sld [smem:$0x3FB8];
	_ =	sdelay $0x3  }
0x33: {  	p0 =	seq.s32 s10, $0x1;
	s10 =	sld [smem:$0x3FBA];
	_ =	sdelay $0x3  }
0x34: {  	[smem:$0x3FBA] =	sst s10  }
0x35: {  	s10 =	sld [smem:$0x3FB9];
	_ =	sdelay $0x3  }
0x36: {  	p1 =	seq.s32 s10, $0x1;
	s10 =	sld [smem:$0x3FBA];
	_ =	sdelay $0x3  }
0x37: {  	[smem:$0x3FBA] =	sst s10  }
0x38: {  	s10 =	sld [smem:$0x3FBB]  }
0x39: {  	_ = 	snop;
	(pc) =	sbr.ind lr, $3  }
0x3a: {  	_ = 	snop  }
0x3b: {  	_ = 	snop  }
0x3c: {  	p2 =	seq.s32 s10, $0x1;
	s10 =	sld [smem:$0x3FBA]  }
0x3d: {  	_ =	shalt  }
0x3e: {  	_ =	shalt  }
0x3f: {  	_ =	shalt  }
0x40: {  	_ =	shalt  }
0x41: {  	_ =	shalt  }
0x42: {  	_ =	shalt  }
0x43: {  	_ =	shalt  }
0x44: {  	_ =	shalt  }
0x45: {  	_ =	shalt  }
0x46: {  	_ =	shalt  }
0x47: {  	_ =	shalt  }
0x48: {  	_ =	shalt  }
0x49: {  	_ =	shalt  }
0x4a: {  	_ =	shalt  }
0x4b: {  	_ =	shalt  }
0x4c: {  	_ =	shalt  }
0x4d: {  	_ =	shalt  }
0x4e: {  	_ =	shalt  }
0x4f: {  	_ =	shalt  }
0x50: {  	_ =	shalt  }
0x51: {  	_ =	shalt  }
0x52: {  	_ =	shalt  }
0x53: {  	_ =	shalt  }
0x54: {  	_ =	shalt  }
0x55: {  	_ =	shalt  }
0x56: {  	_ =	shalt  }
0x57: {  	_ =	shalt  }
0x58: {  	_ =	shalt  }
0x59: {  	_ =	shalt  }
0x5a: {  	_ =	shalt  }
0x5b: {  	_ =	shalt  }
0x5c: {  	_ =	shalt  }
0x5d: {  	_ =	shalt  }
0x5e: {  	_ =	shalt  }
0x5f: {  	_ =	shalt  }
0x60: {  	_ =	shalt  }
0x61: {  	_ =	shalt  }
0x62: {  	_ =	shalt  }
0x63: {  	_ =	shalt  }
0x64: {  	_ =	shalt  }
0x65: {  	_ =	shalt  }
0x66: {  	_ =	shalt  }
0x67: {  	_ =	shalt  }
0x68: {  	_ =	shalt  }
0x69: {  	_ =	shalt  }
0x6a: {  	_ =	shalt  }
0x6b: {  	_ =	shalt  }
0x6c: {  	_ =	shalt  }
0x6d: {  	_ =	shalt  }
0x6e: {  	_ =	shalt  }
0x6f: {  	_ =	shalt  }
0x70: {  	_ =	shalt  }
0x71: {  	_ =	shalt  }
0x72: {  	_ =	shalt  }
0x73: {  	_ =	shalt  }
0x74: {  	_ =	shalt  }
0x75: {  	_ =	shalt  }
0x76: {  	_ =	shalt  }
0x77: {  	_ =	shalt  }
0x78: {  	_ =	shalt  }
0x79: {  	_ =	shalt  }
0x7a: {  	_ =	shalt  }
0x7b: {  	_ =	shalt  }
0x7c: {  	_ =	shalt  }
0x7d: {  	_ =	shalt  }
0x7e: {  	_ =	shalt  }
0x7f: {  	_ =	shalt  }
0x80: {  	_ =	shalt  }
0x81: {  	_ =	shalt  }
0x82: {  	_ =	shalt  }
0x83: {  	_ =	shalt  }
0x84: {  	_ =	shalt  }
0x85: {  	_ =	shalt  }
0x86: {  	_ =	shalt  }
0x87: {  	_ =	shalt  }
.Lfunc_end0:
.L_simem_size_0:
called_computation.1_lowered:
.L_overlay_start_0:
0x88: {  	s2 =	sld [smem:$0x3FD9]  }
0x89: {  	s3 =	sld [smem:$0x3FFE];
	_ =	sdelay $0x1  }
0x8a: {  	s1 =	srdreg.scid  }
0x8b: {  	s0 =	sand.u32 $0x1, s1  }
0x8c: {  	s17 =	sshll.u32 s0, $0xA;
	s2 =	sadd.s32 s3, s2  }
0x8d: {  	s2 =	sadd.s32 s2, s17  }
0x8e: {  	[smem:$0x3FC6] =	sst s2  }
0x8f: {  	_ = 	snop  }
0x90: {  	s2 =	sld [smem:$0x3FD0];
	(tm) =	ssettm $0x1  }
0x91: {  	s18 =	sld [smem:$0x3FFB];
	_ =	sdelay $0x3  }
0x92: {  	_ =	strace s18  }
0x93: {  	s3 =	sld [smem:$0x3FFC];
	_ =	sdelay $0x3  }
0x94: {  	_ =	strace s3  }
0x95: {  	s3 =	sld [smem:$0x3FFD];
	_ =	sdelay $0x3  }
0x96: {  	_ =	strace s3  }
0x97: {  	_ =	strace $0x8FFFFFFF  }
0x98: {  	s19 =	sld [smem:$0x3FDB];
	_ =	sdelay $0x1  }
0x99: {  	s4 =	simm.s32 $_scs_section_size  }
0x9a: {  	s5 =	simm.s32 $_size__tile_overlayer_lowered;
	s6 =	simm.s32 $_tile_overlayer_lowered  }
0x9b: {  	s22 =	simm.s32 $0x1BFF;
	s21 =	sshll.u32 s6, $0x1;
	s3 =	sadd.s32 s4, s19  }
0x9c: {  	s7 =	simm.s32 $0x0;
	s20 =	sshll.u32 s5, $0x1;
	s5 =	sadd.s32 s21, s3  }
0x9d: {  	[timem:s7], [sflag:s22] =	dma.local [hbm:s5], s20  }
0x9e: {  	_ =	swait.ge [sflag:s22], s20  }
0x9f: {  	s4 =	ssub.s32 $0x0, s20;
	[sflag:s22] =	ssyncset.done $0x0  }
0xa0: {  	[sflag:s22] =	ssyncadd.s32 s4;
	_ =	sdelay $0x1  }
0xa1: {  	s23 =	simm.s32 $0x1B8B  }
0xa2: {  	_ =	swait.ge [sflag:s23], $0x1  }
0xa3: {  	[sflag:s23] =	ssyncset.done $0x0  }
0xa4: {  	s25 =	simm.s32 $0x1B8E;
	s24 =	sld [smem:$0x3FFE];
	[sflag:s23] =	ssyncadd.s32 $0xFFFFFFFF  }
0xa5: {  	s26 =	simm.s32 $execute0_lowered;
	[smem:$0x3FD2] =	sst s25  }
0xa6: {  	s5 =	sshll.u32 s26, $0x1;
	_ =	strace $0x80000046;
	[dreg:$0x1] =	wrdreg $0xFFFFFFFF  }
0xa7: {  	s28 =	simm.s32 $_size_execute0_lowered;
	s3 =	sadd.s32 s3, s5;
	[dreg:$0x0] =	wrdreg $0x0  }
0xa8: {  	s5 =	sshll.u32 s28, $0x1;
	[dreg:$0x2] =	wrdreg s3  }
0xa9: {  	[dreg:$0x3] =	wrdreg s5  }
0xaa: {  	[dreg:$0x4] =	wrdreg $0xC0  }
0xab: {  	_ =	task [dreg:s7], $0x5FFFF  }
0xac: {  	[dreg:$0x1] =	wrdreg $0xFFFFFFFF  }
0xad: {  	[dreg:$0x0] =	wrdreg $0x60  }
0xae: {  	[dreg:$0x2] =	wrdreg s24  }
0xaf: {  	[dreg:$0x3] =	wrdreg s2  }
0xb0: {  	[dreg:$0x4] =	wrdreg $0x0  }
0xb1: {  	[dreg:$0x5] =	wrdreg $0x9  }
0xb2: {  	_ =	task.clear_ibuf [dreg:s7], $0x6FFFF;
	_ =	strace $0x90000046  }
0xb3: {  	s29 =	simm.s32 $0x9;
	_ =	strace $0x80000048  }
0xb4: {  	_ =	swait.ge [sflag:s29], $0x1  }
0xb5: {  	[sflag:s29] =	ssyncadd.s32 $0xFFFFFFFF  }
0xb6: {  	_ =	strace $0x90000048  }
0xb7: {  	_ =	sfence  }
0xb8: {  	s30 =	sld [smem:$0x0];
	_ =	sdelay $0x2  }
0xb9: {  	s31 =	sshll.u32 s1, $0xD;
	s1 =	sshrl.u32 s1, $0x2  }
0xba: {  	s3 =	sand.u32 $0x4000, s31;
	s1 =	sadd.s32 s1, s30  }
0xbb: {  	s0 =	sor.u32 s3, s0;
	s1 =	sshll.u32 s1, $0x11  }
0xbc: {  	s0 =	sor.u32 s1, s0  }
0xbd: {  	s0 =	sadd.s32 $0x8F2B, s0  }
0xbe: {  	[sflag:s0] =	ssyncadd.remote.s32 $0x1  }
0xbf: {  	_ =	sfence.sel $0xFFFF  }
0xc0: {  	[dreg:$0x0] =	wrdreg $0xFFFFFFFF;
	(pc) =	sbr.abs _section_cstart, $3  }
0xc1: {  	[dreg:$0x1] =	wrdreg $0xFFFFFFFF  }
0xc2: {  	_ =	task.clear_ibuf [dreg:s7], $0x2FFFF;
	_ =	strace $0x9FFFFFFF  }
0xc3: {  	(tm) =	ssettm $0x7FFFFFFF  }
tec
execute0_lowered:
.L_overlay_start_1:
0x0: {  	(tag) =	ssettag $0x1  }
0x1: {  	s0 =	rddreg [dreg:$0x0]  }
0x2: {  	s3 =	rddreg [dreg:$0x2]  }
0x3: {  	s4 =	simm.s32 $0x0;
	s1 =	srdreg.scid;
	s9 =	stileid.u32  }
0x4: {  	[smem:$0x7FF] =	sst s4;
	s25 =	smul.u32 $0x93000, s9  }
0x5: {  	s2 =	sand.u32 $0x1, s1;
	s6 =	sadd.s32 $0x126800, s0;
	s8 =	smul.u32 $0x62000, s9  }
0x6: {  	s7 =	sadd.s32 $0x800, s0;
	s31 =	smul.u32 $0x18800, s9;
	_ =	strace $0x80000047  }
0x7: {  	[dreg:$0x4] =	wrdreg s2;
	s2 =	ssub.s32 $0x2, s2;
	s5 =	sshrl.u32 s25, $0x3  }
0x8: {  	s26 =	sshrl.u32 s2, $0x1;
	[dreg:$0x9] =	wrdreg s31;
	s10 =	sadd.s32 s6, s5  }
0x9: {  	s28 =	sadd.s32 $0x2A0, s5;
	s5 =	sadd.s32 s7, s5;
	[dreg:$0x5] =	wrdreg s10  }
0xa: {  	s30 =	sshrl.u32 s8, $0x2;
	[dreg:$0x6] =	wrdreg s5;
	s29 =	sadd.s32 s6, s28  }
0xb: {  	s0 =	ssub.s32 s2, s26;
	s2 =	sadd.s32 s7, s28;
	[dreg:$0x7] =	wrdreg s29  }
0xc: {  	s5 =	sadd.s32 s31, s3;
	s0 =	smax.u32 s0, $0x1;
	[dreg:$0x8] =	wrdreg s2  }
0xd: {  	s2 =	sadd.s32 s30, s3;
	[dreg:$0xa] =	wrdreg s0;
	s18 =	sshrl.u32 s5, $0x3  }
0xe: {  	s8 =	sadd.s32 $0x800, s2;
	[dreg:$0x13] =	wrdreg s18  }
0xf: {  	s9 =	sadd.s32 $0x1000, s2;
	[dreg:$0xb] =	wrdreg s8  }
0x10: {  	s10 =	sadd.s32 $0x1800, s2;
	[dreg:$0xc] =	wrdreg s9  }
0x11: {  	s11 =	sadd.s32 $0x2000, s2;
	[dreg:$0xd] =	wrdreg s10  }
0x12: {  	s12 =	sadd.s32 $0x2800, s2;
	[dreg:$0xe] =	wrdreg s11  }
0x13: {  	s13 =	sadd.s32 $0x3000, s2;
	[dreg:$0xf] =	wrdreg s12  }
0x14: {  	s16 =	sadd.s32 $0x3800, s2;
	[dreg:$0x10] =	wrdreg s13  }
0x15: {  	s17 =	sadd.s32 $0x4000, s2;
	[dreg:$0x11] =	wrdreg s16  }
0x16: {  	s19 =	sadd.s32 $0x4800, s2;
	[dreg:$0x12] =	wrdreg s17  }
0x17: {  	s20 =	sadd.s32 $0x5000, s2;
	[dreg:$0x14] =	wrdreg s19  }
0x18: {  	s21 =	sadd.s32 $0x5800, s2;
	[dreg:$0x15] =	wrdreg s20  }
0x19: {  	s22 =	sadd.s32 $0x6000, s2;
	[dreg:$0x16] =	wrdreg s21  }
0x1a: {  	s23 =	sadd.s32 $0x6800, s2;
	[dreg:$0x17] =	wrdreg s22  }
0x1b: {  	s14 =	sadd.s32 $0x2A00, s25;
	s24 =	sadd.s32 $0x7000, s2;
	[dreg:$0x18] =	wrdreg s23  }
0x1c: {  	s15 =	sadd.s32 $0x3F00, s25;
	s25 =	sadd.s32 $0x7800, s2;
	[dreg:$0x19] =	wrdreg s24  }
0x1d: {  	s26 =	sadd.s32 $0x8000, s2;
	[dreg:$0x1a] =	wrdreg s25  }
0x1e: {  	s28 =	sadd.s32 $0x8800, s2;
	[dreg:$0x1b] =	wrdreg s26  }
0x1f: {  	s29 =	sadd.s32 $0x9000, s2;
	[dreg:$0x1c] =	wrdreg s28  }
0x20: {  	s30 =	sadd.s32 $0x9800, s2;
	[dreg:$0x1d] =	wrdreg s29  }
0x21: {  	s31 =	sadd.s32 $0xA000, s2;
	[dreg:$0x1e] =	wrdreg s30  }
0x22: {  	s1 =	sadd.s32 $0xA800, s2;
	[dreg:$0x1f] =	wrdreg s31  }
0x23: {  	s5 =	sadd.s32 $0xB000, s2;
	[smem:$0x7E7] =	sst s1  }
0x24: {  	s18 =	sadd.s32 $0xF800, s2;
	[smem:$0x7E8] =	sst s5  }
0x25: {  	s8 =	sadd.s32 $0xB800, s2;
	[smem:$0x7F1] =	sst s18  }
0x26: {  	s9 =	sadd.s32 $0xC000, s2;
	[smem:$0x7E9] =	sst s8  }
0x27: {  	s10 =	sadd.s32 $0xC800, s2;
	[smem:$0x7EA] =	sst s9  }
0x28: {  	s11 =	sadd.s32 $0xD000, s2;
	[smem:$0x7EB] =	sst s10  }
0x29: {  	s12 =	sadd.s32 $0xD800, s2;
	[smem:$0x7EC] =	sst s11  }
0x2a: {  	s13 =	sadd.s32 $0xE000, s2;
	[smem:$0x7ED] =	sst s12  }
0x2b: {  	s16 =	sadd.s32 $0xE800, s2;
	[smem:$0x7EE] =	sst s13  }
0x2c: {  	s17 =	sadd.s32 $0xF000, s2;
	[smem:$0x7EF] =	sst s16  }
0x2d: {  	s19 =	sadd.s32 $0x10000, s2;
	[smem:$0x7F0] =	sst s17  }
0x2e: {  	s20 =	sadd.s32 $0x10800, s2;
	[smem:$0x7F2] =	sst s19  }
0x2f: {  	s21 =	sadd.s32 $0x11000, s2;
	[smem:$0x7F3] =	sst s20  }
0x30: {  	s22 =	sadd.s32 $0x11800, s2;
	[smem:$0x7F4] =	sst s21  }
0x31: {  	s23 =	sadd.s32 $0x12000, s2;
	[smem:$0x7F5] =	sst s22  }
0x32: {  	s24 =	sadd.s32 $0x12800, s2;
	[smem:$0x7F6] =	sst s23  }
0x33: {  	s25 =	sadd.s32 $0x13000, s2;
	[smem:$0x7F7] =	sst s24  }
0x34: {  	s26 =	sadd.s32 $0x13800, s2;
	[smem:$0x7F8] =	sst s25  }
0x35: {  	s28 =	sadd.s32 $0x14000, s2;
	[smem:$0x7F9] =	sst s26  }
0x36: {  	s29 =	sadd.s32 $0x14800, s2;
	[smem:$0x7FA] =	sst s28  }
0x37: {  	s30 =	sadd.s32 $0x15000, s2;
	[smem:$0x7FB] =	sst s29  }
0x38: {  	s31 =	sadd.s32 $0x15800, s2;
	[smem:$0x7FC] =	sst s30  }
0x39: {  	v0 =	vlaneseq.u32;
	v2 =	vimm.f32 $0.0e+00;
	s18 =	simm.s32 $0x1B200;
	s1 =	simm.s32 $0x0;
	[smem:$0x7FD] =	sst s31  }
.Ltmp0:
0x3a: {  	v1 =	vmul.u32 $0x34, v0;
	v3 =	vor.u32 $0x10, v0;
	v5 =	vor.u32 $0x20, v0;
	s9 =	sadd.s32 $0x16000, s2;
	s10 =	sadd.s32 $0x16800, s2;
	(pc) =	sbr.rel .LBB2_1-.Ltmp0, $4  }
0x3b: {  	v7 =	vor.u32 $0x30, v0;
	v9 =	vor.u32 $0x40, v0;
	v11 =	vor.u32 $0x50, v0;
	s11 =	sadd.s32 $0x17000, s2;
	s12 =	sadd.s32 $0x17800, s2;
	s8 =	smov.u32 s2  }
0x3c: {  	v13 =	vor.u32 $0x60, v0;
	v15 =	vor.u32 $0x70, v0;
	v4 =	vadd.s32 $0x340, v1;
	s17 =	sadd.s32 $0x18000, s2;
	s19 =	simm.s32 $0x1C700;
	s20 =	simm.s32 $0x1EE00  }
0x3d: {  	v6 =	vadd.s32 $0x680, v1;
	v8 =	vadd.s32 $0x9C0, v1;
	v10 =	vadd.s32 $0xD00, v1;
	s13 =	simm.s32 $0x3;
	s21 =	simm.s32 $0x1;
	s22 =	simm.s32 $0x80  }
0x3e: {  	v12 =	vadd.s32 $0x1040, v1;
	v14 =	vadd.s32 $0x1380, v1;
	v16 =	vadd.s32 $0x16C0, v1;
	s23 =	simm.s32 $0x2;
	s24 =	simm.s32 $0x4;
	s25 =	simm.s32 $0x5  }
.LBB2_24:
0x3f: {  	s1 =	sld [smem:$0x7E6];
	_ =	sdelay $0x2  }
0x40: {  	s0 =	rddreg [dreg:$0xa];
	s1 =	sadd.s32 $0x1, s1  }
0x41: {  	p0 =	sne.s32 s1, s0  }
.Ltmp1:
0x42: {  	_ = 	snop;
	(pc) =	sbr.rel @!p0 .LBB2_25-.Ltmp1, $1  }
0x43: {  	_ =	sdelay $0x3  }
.LBB2_1:
0x44: {  	[smem:$0x7E6] =	sst s1;
	s0 =	simm.s32 $0x0  }
.LBB2_2:
0x45: {  	p0 =	sne.s32 s0, $0x1FC0  }
.Ltmp2:
0x46: {  	_ = 	snop;
	(pc) =	sbr.rel @p0 .LBB2_2-.Ltmp2, $3  }
0x47: {  	_ =	sdelay $0x1  }
0x48: {  	s1 =	sshra.s32 s0, $0x2  }
0x49: {  	s0 =	sadd.s32 $0x40, s0;
	[tilespmem:s1+$0x1EE00] =	vst v2  }
.Ltmp3:
0x4a: {  	(pc) =	sbr.rel .LBB2_4-.Ltmp3, $2  }
0x4b: {  	_ =	sdelay $0x2  }
0x4c: {  	s26 =	simm.s32 $0x0  }
.LBB2_23:
0x4d: {  	s0 =	rddreg [dreg:$0x9];
	s1 =	stileid.u32;
	[bflag:$0x0] =	sbarrier.arrive $0xFFFF  }
0x4e: {  	s26 =	sadd.s32 $0x1, s26;
	s0 =	sadd.s32 s0, s28;
	s2 =	rddreg [dreg:$0x1]  }
0x4f: {  	s1 =	sshll.u32 s1, $0x6;
	s31 =	rddreg [dreg:$0x13];
	s0 =	sshrl.u32 s0, $0x3  }
0x50: {  	p0 =	sne.s32 s26, $0xC;
	s1 =	sor.u32 $0x1C05, s1;
	s0 =	sadd.s32 s2, s0  }
0x51: {  	[hbm:s0], [sflag:s1] =	dma.local [spmem:s31], $0x3100  }
.Ltmp4:
0x52: {  	_ =	swait.ge [sflag:s25], $0x3100;
	(pc) =	sbr.rel @!p0 .LBB2_24-.Ltmp4, $3  }
0x53: {  	[sflag:s25] =	ssyncset.done $0x0  }
0x54: {  	[sflag:s25] =	ssyncadd.s32 $0xFFFFCF00  }
0x55: {  	[bflag:$0x0] =	sbarrier.arrive $0xFFFF;
	_ =	sdelay $0x1  }
.LBB2_4:
0x56: {  	s0 =	rddreg [dreg:$0x5];
	s1 =	simm.s32 $0x18800  }
0x57: {  	[tilespmem:s1], [sflag:$0x1] =	stream.linear.gather [hbm4b:s0+s4], $0x1500, $0x38;
	[tilespmem:$0x1F600] =	vst v63  }
0x58: {  	s2 =	rddreg [dreg:$0x6];
	s5 =	simm.s32 $0x19D00  }
0x59: {  	[tilespmem:s5], [sflag:$0x1] =	stream.linear.gather [hbm4b:s2+s4], $0x1500, $0x38;
	[tilespmem:$0x1F600] =	vst v63  }
0x5a: {  	s16 =	rddreg [dreg:$0x7]  }
0x5b: {  	[tilespmem:s18], [sflag:$0x2] =	stream.linear.gather [hbm4b:s16+s4], $0x1500, $0x38;
	[tilespmem:$0x1F600] =	vst v63  }
0x5c: {  	s28 =	rddreg [dreg:$0x8]  }
0x5d: {  	[tilespmem:s19], [sflag:$0x2] =	stream.linear.gather [hbm4b:s28+s4], $0x1500, $0x38;
	[tilespmem:$0x1F600] =	vst v63  }
0x5e: {  	s29 =	rddreg [dreg:$0xb]  }
0x5f: {  	[spmem:s8] =	stream.linear.scatter [tilespmem:s20], [sflag:$0x3], $0x800, $0x38;
	[tilespmem:$0x1F600] =	vst v63  }
0x60: {  	s30 =	rddreg [dreg:$0xc]  }
0x61: {  	[spmem:s29] =	stream.linear.scatter [tilespmem:s20], [sflag:$0x3], $0x800, $0x38;
	[tilespmem:$0x1F600] =	vst v63  }
0x62: {  	s31 =	rddreg [dreg:$0xd]  }
0x63: {  	[spmem:s30] =	stream.linear.scatter [tilespmem:s20], [sflag:$0x3], $0x800, $0x38;
	[tilespmem:$0x1F600] =	vst v63  }
0x64: {  	s1 =	rddreg [dreg:$0xe]  }
0x65: {  	[spmem:s31] =	stream.linear.scatter [tilespmem:s20], [sflag:$0x3], $0x800, $0x38;
	[tilespmem:$0x1F600] =	vst v63  }
0x66: {  	s2 =	rddreg [dreg:$0xf]  }
0x67: {  	[spmem:s1] =	stream.linear.scatter [tilespmem:s20], [sflag:$0x3], $0x800, $0x38;
	[tilespmem:$0x1F600] =	vst v63  }
0x68: {  	s5 =	rddreg [dreg:$0x10]  }
0x69: {  	[spmem:s2] =	stream.linear.scatter [tilespmem:s20], [sflag:$0x3], $0x800, $0x38;
	[tilespmem:$0x1F600] =	vst v63  }
0x6a: {  	s16 =	rddreg [dreg:$0x11]  }
0x6b: {  	[spmem:s5] =	stream.linear.scatter [tilespmem:s20], [sflag:$0x3], $0x800, $0x38;
	[tilespmem:$0x1F600] =	vst v63  }
0x6c: {  	s28 =	rddreg [dreg:$0x12]  }
0x6d: {  	[spmem:s16] =	stream.linear.scatter [tilespmem:s20], [sflag:$0x3], $0x800, $0x38;
	[tilespmem:$0x1F600] =	vst v63  }
0x6e: {  	s29 =	rddreg [dreg:$0x14]  }
0x6f: {  	[spmem:s28] =	stream.linear.scatter [tilespmem:s20], [sflag:$0x3], $0x800, $0x38;
	[tilespmem:$0x1F600] =	vst v63  }
0x70: {  	s30 =	rddreg [dreg:$0x15]  }
0x71: {  	[spmem:s29] =	stream.linear.scatter [tilespmem:s20], [sflag:$0x3], $0x800, $0x38;
	[tilespmem:$0x1F600] =	vst v63  }
0x72: {  	s31 =	rddreg [dreg:$0x16]  }
0x73: {  	[spmem:s30] =	stream.linear.scatter [tilespmem:s20], [sflag:$0x3], $0x800, $0x38;
	[tilespmem:$0x1F600] =	vst v63  }
0x74: {  	s1 =	rddreg [dreg:$0x17]  }
0x75: {  	[spmem:s31] =	stream.linear.scatter [tilespmem:s20], [sflag:$0x3], $0x800, $0x38;
	[tilespmem:$0x1F600] =	vst v63  }
0x76: {  	s2 =	rddreg [dreg:$0x18]  }
0x77: {  	[spmem:s1] =	stream.linear.scatter [tilespmem:s20], [sflag:$0x3], $0x800, $0x38;
	[tilespmem:$0x1F600] =	vst v63  }
0x78: {  	s5 =	rddreg [dreg:$0x19]  }
0x79: {  	[spmem:s2] =	stream.linear.scatter [tilespmem:s20], [sflag:$0x3], $0x800, $0x38;
	[tilespmem:$0x1F600] =	vst v63  }
0x7a: {  	s16 =	rddreg [dreg:$0x1a]  }
0x7b: {  	[spmem:s5] =	stream.linear.scatter [tilespmem:s20], [sflag:$0x3], $0x800, $0x38;
	[tilespmem:$0x1F600] =	vst v63  }
0x7c: {  	s28 =	rddreg [dreg:$0x1b]  }
0x7d: {  	[spmem:s16] =	stream.linear.scatter [tilespmem:s20], [sflag:$0x3], $0x800, $0x38;
	[tilespmem:$0x1F600] =	vst v63  }
0x7e: {  	s29 =	rddreg [dreg:$0x1c]  }
0x7f: {  	[spmem:s28] =	stream.linear.scatter [tilespmem:s20], [sflag:$0x3], $0x800, $0x38;
	[tilespmem:$0x1F600] =	vst v63  }
0x80: {  	s30 =	rddreg [dreg:$0x1d]  }
0x81: {  	[spmem:s29] =	stream.linear.scatter [tilespmem:s20], [sflag:$0x3], $0x800, $0x38;
	[tilespmem:$0x1F600] =	vst v63  }
0x82: {  	s31 =	rddreg [dreg:$0x1e]  }
0x83: {  	[spmem:s30] =	stream.linear.scatter [tilespmem:s20], [sflag:$0x3], $0x800, $0x38;
	[tilespmem:$0x1F600] =	vst v63  }
0x84: {  	s1 =	rddreg [dreg:$0x1f]  }
0x85: {  	[spmem:s31] =	stream.linear.scatter [tilespmem:s20], [sflag:$0x3], $0x800, $0x38;
	[tilespmem:$0x1F600] =	vst v63  }
0x86: {  	s2 =	sld [smem:$0x7E7]  }
0x87: {  	[spmem:s1] =	stream.linear.scatter [tilespmem:s20], [sflag:$0x3], $0x800, $0x38;
	[tilespmem:$0x1F600] =	vst v63  }
0x88: {  	s5 =	sld [smem:$0x7E8]  }
0x89: {  	[spmem:s2] =	stream.linear.scatter [tilespmem:s20], [sflag:$0x3], $0x800, $0x38;
	[tilespmem:$0x1F600] =	vst v63  }
0x8a: {  	s16 =	sld [smem:$0x7E9]  }
0x8b: {  	[spmem:s5] =	stream.linear.scatter [tilespmem:s20], [sflag:$0x3], $0x800, $0x38;
	[tilespmem:$0x1F600] =	vst v63  }
0x8c: {  	s28 =	sld [smem:$0x7EA]  }
0x8d: {  	[spmem:s16] =	stream.linear.scatter [tilespmem:s20], [sflag:$0x3], $0x800, $0x38;
	[tilespmem:$0x1F600] =	vst v63  }
0x8e: {  	s29 =	sld [smem:$0x7EB]  }
0x8f: {  	[spmem:s28] =	stream.linear.scatter [tilespmem:s20], [sflag:$0x3], $0x800, $0x38;
	[tilespmem:$0x1F600] =	vst v63  }
0x90: {  	s30 =	sld [smem:$0x7EC]  }
0x91: {  	[spmem:s29] =	stream.linear.scatter [tilespmem:s20], [sflag:$0x3], $0x800, $0x38;
	[tilespmem:$0x1F600] =	vst v63  }
0x92: {  	s31 =	sld [smem:$0x7ED]  }
0x93: {  	[spmem:s30] =	stream.linear.scatter [tilespmem:s20], [sflag:$0x3], $0x800, $0x38;
	[tilespmem:$0x1F600] =	vst v63  }
0x94: {  	s1 =	sld [smem:$0x7EE]  }
0x95: {  	[spmem:s31] =	stream.linear.scatter [tilespmem:s20], [sflag:$0x3], $0x800, $0x38;
	[tilespmem:$0x1F600] =	vst v63  }
0x96: {  	s2 =	sld [smem:$0x7EF]  }
0x97: {  	[spmem:s1] =	stream.linear.scatter [tilespmem:s20], [sflag:$0x3], $0x800, $0x38;
	[tilespmem:$0x1F600] =	vst v63  }
0x98: {  	s5 =	sld [smem:$0x7F0]  }
0x99: {  	[spmem:s2] =	stream.linear.scatter [tilespmem:s20], [sflag:$0x3], $0x800, $0x38;
	[tilespmem:$0x1F600] =	vst v63  }
0x9a: {  	s16 =	sld [smem:$0x7F1]  }
0x9b: {  	[spmem:s5] =	stream.linear.scatter [tilespmem:s20], [sflag:$0x3], $0x800, $0x38;
	[tilespmem:$0x1F600] =	vst v63  }
0x9c: {  	s28 =	sld [smem:$0x7F2]  }
0x9d: {  	[spmem:s16] =	stream.linear.scatter [tilespmem:s20], [sflag:$0x3], $0x800, $0x38;
	[tilespmem:$0x1F600] =	vst v63  }
0x9e: {  	s29 =	sld [smem:$0x7F3]  }
0x9f: {  	[spmem:s28] =	stream.linear.scatter [tilespmem:s20], [sflag:$0x3], $0x800, $0x38;
	[tilespmem:$0x1F600] =	vst v63  }
0xa0: {  	s30 =	sld [smem:$0x7F4]  }
0xa1: {  	[spmem:s29] =	stream.linear.scatter [tilespmem:s20], [sflag:$0x3], $0x800, $0x38;
	[tilespmem:$0x1F600] =	vst v63  }
0xa2: {  	s31 =	sld [smem:$0x7F5]  }
0xa3: {  	[spmem:s30] =	stream.linear.scatter [tilespmem:s20], [sflag:$0x3], $0x800, $0x38;
	[tilespmem:$0x1F600] =	vst v63  }
0xa4: {  	s1 =	sld [smem:$0x7F6]  }
0xa5: {  	[spmem:s31] =	stream.linear.scatter [tilespmem:s20], [sflag:$0x3], $0x800, $0x38;
	[tilespmem:$0x1F600] =	vst v63  }
0xa6: {  	s2 =	sld [smem:$0x7F7]  }
0xa7: {  	[spmem:s1] =	stream.linear.scatter [tilespmem:s20], [sflag:$0x3], $0x800, $0x38;
	[tilespmem:$0x1F600] =	vst v63  }
0xa8: {  	s5 =	sld [smem:$0x7F8]  }
0xa9: {  	[spmem:s2] =	stream.linear.scatter [tilespmem:s20], [sflag:$0x3], $0x800, $0x38;
	[tilespmem:$0x1F600] =	vst v63  }
0xaa: {  	s16 =	sld [smem:$0x7F9]  }
0xab: {  	[spmem:s5] =	stream.linear.scatter [tilespmem:s20], [sflag:$0x3], $0x800, $0x38;
	[tilespmem:$0x1F600] =	vst v63  }
0xac: {  	s28 =	sld [smem:$0x7FA]  }
0xad: {  	[spmem:s16] =	stream.linear.scatter [tilespmem:s20], [sflag:$0x3], $0x800, $0x38;
	[tilespmem:$0x1F600] =	vst v63  }
0xae: {  	s29 =	sld [smem:$0x7FB]  }
0xaf: {  	[spmem:s28] =	stream.linear.scatter [tilespmem:s20], [sflag:$0x3], $0x800, $0x38;
	[tilespmem:$0x1F600] =	vst v63  }
0xb0: {  	s30 =	sld [smem:$0x7FC]  }
0xb1: {  	[spmem:s29] =	stream.linear.scatter [tilespmem:s20], [sflag:$0x3], $0x800, $0x38;
	[tilespmem:$0x1F600] =	vst v63  }
0xb2: {  	s31 =	sld [smem:$0x7FD]  }
0xb3: {  	[spmem:s30] =	stream.linear.scatter [tilespmem:s20], [sflag:$0x3], $0x800, $0x38;
	[tilespmem:$0x1F600] =	vst v63  }
0xb4: {  	_ = 	snop  }
0xb5: {  	[spmem:s31] =	stream.linear.scatter [tilespmem:s20], [sflag:$0x3], $0x800, $0x38;
	[tilespmem:$0x1F600] =	vst v63  }
0xb6: {  	_ = 	snop  }
0xb7: {  	[spmem:s9] =	stream.linear.scatter [tilespmem:s20], [sflag:$0x3], $0x800, $0x38;
	[tilespmem:$0x1F600] =	vst v63  }
0xb8: {  	_ = 	snop  }
0xb9: {  	[spmem:s10] =	stream.linear.scatter [tilespmem:s20], [sflag:$0x3], $0x800, $0x38;
	[tilespmem:$0x1F600] =	vst v63  }
0xba: {  	_ = 	snop  }
0xbb: {  	[spmem:s11] =	stream.linear.scatter [tilespmem:s20], [sflag:$0x3], $0x800, $0x38;
	[tilespmem:$0x1F600] =	vst v63  }
0xbc: {  	_ = 	snop  }
0xbd: {  	[spmem:s12] =	stream.linear.scatter [tilespmem:s20], [sflag:$0x3], $0x800, $0x38;
	[tilespmem:$0x1F600] =	vst v63  }
0xbe: {  	_ = 	snop  }
0xbf: {  	[spmem:s17] =	stream.linear.scatter [tilespmem:s20], [sflag:$0x3], $0x800, $0x38;
	[tilespmem:$0x1F600] =	vst v63  }
0xc0: {  	_ =	swait.ge [sflag:s13], $0x800  }
0xc1: {  	s0 =	simm.s32 $0x30;
	[sflag:s13] =	ssyncset.done $0x0  }
.LBB2_5:
0xc2: {  	p0 =	sne.s32 s0, $0x1;
	s0 =	sadd.s32 $0xFFFFFFFF, s0;
	[sflag:s13] =	ssyncadd.s32 $0xFFFFF800  }
.Ltmp5:
0xc3: {  	(pc) =	sbr.rel @p0 .LBB2_5-.Ltmp5, $3  }
0xc4: {  	_ =	sdelay $0x1  }
0xc5: {  	_ =	swait.ge [sflag:s13], $0x800  }
0xc6: {  	[sflag:s13] =	ssyncset.done $0x0  }
0xc7: {  	s0 =	sshll.u32 s26, $0x1;
	s1 =	rddreg [dreg:$0x4]  }
0xc8: {  	s0 =	sor.u32 s1, s0  }
0xc9: {  	s28 =	smul.u32 $0x188000, s0  }
0xca: {  	[sflag:s13] =	ssyncadd.s32 $0xFFFFF800;
	s30 =	simm.s32 $0x0;
	s29 =	simm.s32 $0x0  }
0xcb: {  	s31 =	simm.s32 $0x0;
	[bflag:$0x0] =	sbarrier.arrive $0xFFFF;
	s0 =	simm.s32 $0x0;
	v17 =	vmov s28  }
.LBB2_7:
0xcc: {  	_ =	swait.ge [sflag:s21], $0x1500  }
.Ltmp6:
0xcd: {  	[sflag:s21] =	ssyncset.done $0x0;
	(pc) =	sbr.rel .LBB2_8-.Ltmp6, $4  }
0xce: {  	[sflag:s21] =	ssyncadd.s32 $0xFFFFEB00  }
0xcf: {  	_ =	swait.ge [sflag:s21], $0x1500  }
0xd0: {  	[sflag:s21] =	ssyncset.done $0x0  }
0xd1: {  	s16 =	simm.s32 $0x0;
	[sflag:s21] =	ssyncadd.s32 $0xFFFFEB00  }
.LBB2_10:
0xd2: {  	s16 =	sadd.s32 $0x200, s16  }
0xd3: {  	p1 =	sne.s32 s16, $0x5400  }
.Ltmp7:
0xd4: {  	_ = 	snop;
	(pc) =	sbr.rel @!p1 .LBB2_11-.Ltmp7, $4  }
0xd5: {  	_ = 	snop  }
0xd6: {  	p0 =	sgt.s32 s0, $0x7F;
	s2 =	simm.s32 $0x1  }
0xd7: {  	s5 =	sadd.s32 $0xFFFFFF80, s0;
	s2 =	simm.s32 @!p0 $0x0  }
0xd8: {  	s30 =	sadd.s32 s1, s30;
	s0 =	smov.u32 @p0 s5;
	s29 =	sadd.s32 s2, s29  }
.LBB2_8:
0xd9: {  	s1 =	sshra.s32 s16, $0x2  }
0xda: {  	v18 =	vld [tilespmem:s1+$0x18800];
	_ =	sdelay $0x1  }
0xdb: {  	v19 =	vld [tilespmem:s1+$0x18810];
	_ =	sdelay $0x1  }
0xdc: {  	v20 =	vld [tilespmem:s1+$0x18820]  }
0xdd: {  	v18 =	vsub.s32 v18, v17  }
0xde: {  	v21 =	vld [tilespmem:s1+$0x18830];
	vm0 =	vlt.u32 v18, $0x188000  }
0xdf: {  	v23 =	vld [tilespmem:s1+$0x18840];
	v19 =	vsub.s32 v19, v17;
	v22 =	vmpcnt.ones.xlane vm0  }
0xe0: {  	v24 =	vld [tilespmem:s1+$0x18850];
	vm1 =	vlt.u32 v19, $0x188000  }
0xe1: {  	v25 =	vld [tilespmem:s1+$0x18860];
	v20 =	vsub.s32 v20, v17;
	v55 =	vmpcnt.ones.xlane vm1;
	(v2sf) =	vpush v22, $0x0  }
0xe2: {  	vm2 =	vlt.u32 v20, $0x188000  }
0xe3: {  	v26 =	vld [tilespmem:s1+$0x18870];
	v21 =	vsub.s32 v21, v17;
	v56 =	vmpcnt.ones.xlane vm2;
	(v2sf) =	vpush v55, $0x0  }
0xe4: {  	vm3 =	vlt.u32 v21, $0x188000  }
0xe5: {  	v23 =	vsub.s32 v23, v17;
	v57 =	vmpcnt.ones.xlane vm3;
	(v2sf) =	vpush v56, $0x0  }
0xe6: {  	v58 =	vsub.s32 v24, v17;
	v25 =	vsub.s32 v25, v17;
	vm4 =	vlt.u32 v23, $0x188000  }
0xe7: {  	vm6 =	vlt.u32 v58, $0x188000;
	v27 =	vmpcnt.ones.xlane vm4;
	(v2sf) =	vpush v57, $0x0  }
0xe8: {  	v26 =	vsub.s32 v26, v17;
	vm5 =	vlt.u32 v25, $0x188000;
	v28 =	vmpcnt.ones.xlane vm6  }
0xe9: {  	v59 =	vld [tilespmem:s1+$0x19D00];
	vm7 =	vlt.u32 v26, $0x188000;
	v30 =	vmpcnt.ones.xlane vm5;
	(v2sf) =	vpush v27, $0x0  }
0xea: {  	v60 =	vld [tilespmem:s1+$0x19D10];
	v61 =	vmpcnt.ones.xlane vm7;
	(v2sf) =	vpush v28, $0x0  }
0xeb: {  	v29 =	vld [tilespmem:s1+$0x19D20];
	(v2sf) =	vpush v30, $0x0  }
0xec: {  	v31 =	vld [tilespmem:s1+$0x19D30];
	(v2sf) =	vpush v61, $0x0  }
0xed: {  	v32 =	vld [tilespmem:s1+$0x19D40]  }
0xee: {  	v62 =	vld [tilespmem:s1+$0x19D50]  }
0xef: {  	v63 =	vld [tilespmem:s1+$0x19D60]  }
0xf0: {  	v33 =	vld [tilespmem:s1+$0x19D70];
	[tilespmem:s0+$0x1EC00] =	vst.msk vm0, v18;
	s2 =	spop (v2sf)  }
0xf1: {  	[tilespmem:s0+$0x1ED00] =	vst.msk vm0, v59;
	s1 =	sadd.s32 s0, s2  }
0xf2: {  	s5 =	spop (v2sf);
	[tilespmem:s1+$0x1EC00] =	vst.msk vm1, v19  }
0xf3: {  	s0 =	sadd.s32 s1, s5;
	[tilespmem:s1+$0x1ED00] =	vst.msk vm1, v60  }
0xf4: {  	s2 =	spop (v2sf);
	[tilespmem:s0+$0x1EC00] =	vst.msk vm2, v20  }
0xf5: {  	s1 =	sadd.s32 s0, s2;
	[tilespmem:s0+$0x1ED00] =	vst.msk vm2, v29  }
0xf6: {  	s5 =	spop (v2sf);
	[tilespmem:s1+$0x1EC00] =	vst.msk vm3, v21  }
0xf7: {  	s0 =	sadd.s32 s1, s5;
	[tilespmem:s1+$0x1ED00] =	vst.msk vm3, v31  }
0xf8: {  	s2 =	spop (v2sf);
	[tilespmem:s0+$0x1EC00] =	vst.msk vm4, v23  }
0xf9: {  	s5 =	spop (v2sf);
	s1 =	sadd.s32 s0, s2;
	[tilespmem:s0+$0x1ED00] =	vst.msk vm4, v32  }
0xfa: {  	s2 =	spop (v2sf);
	s5 =	sadd.s32 s1, s5;
	[tilespmem:s1+$0x1EC00] =	vst.msk vm6, v58  }
0xfb: {  	s2 =	sadd.s32 s5, s2;
	[tilespmem:s1+$0x1ED00] =	vst.msk vm6, v62;
	s1 =	spop (v2sf)  }
0xfc: {  	s0 =	sadd.s32 s2, s1  }
0xfd: {  	p0 =	slt.s32 s0, $0x80  }
.Ltmp8:
0xfe: {  	_ = 	snop;
	(pc) =	sbr.rel @p0 .LBB2_10-.Ltmp8, $4  }
0xff: {  	[tilespmem:s5+$0x1EC00] =	vst.msk vm5, v25  }
0x100: {  	[tilespmem:s5+$0x1ED00] =	vst.msk vm5, v63  }
0x101: {  	[tilespmem:s2+$0x1EC00] =	vst.msk vm7, v26  }
0x102: {  	s1 =	simm.s32 $0x0;
	[tilespmem:s2+$0x1ED00] =	vst.msk vm7, v33  }
0x103: {  	v18 =	vld [tilespmem:$0x1EC00];
	_ =	sdelay $0x2  }
0x104: {  	s1 =	sshll.u32 s29, $0x7  }
0x105: {  	s1 =	sand.u32 $0x780, s1  }
0x106: {  	[tilespmem:s1+$0x1DC00] =	vst v18  }
0x107: {  	v18 =	vld [tilespmem:$0x1ED00];
	_ =	sdelay $0x4  }
0x108: {  	[tilespmem:s1+$0x1E400] =	vst v18  }
0x109: {  	v18 =	vld [tilespmem:$0x1EC10];
	_ =	sdelay $0x4  }
0x10a: {  	[tilespmem:s1+$0x1DC10] =	vst v18  }
0x10b: {  	v18 =	vld [tilespmem:$0x1ED10];
	_ =	sdelay $0x4  }
0x10c: {  	[tilespmem:s1+$0x1E410] =	vst v18  }
0x10d: {  	v18 =	vld [tilespmem:$0x1EC20];
	_ =	sdelay $0x4  }
0x10e: {  	[tilespmem:s1+$0x1DC20] =	vst v18  }
0x10f: {  	v18 =	vld [tilespmem:$0x1ED20];
	_ =	sdelay $0x4  }
0x110: {  	[tilespmem:s1+$0x1E420] =	vst v18  }
0x111: {  	v18 =	vld [tilespmem:$0x1EC30];
	_ =	sdelay $0x4  }
0x112: {  	[tilespmem:s1+$0x1DC30] =	vst v18  }
0x113: {  	v18 =	vld [tilespmem:$0x1ED30];
	_ =	sdelay $0x4  }
0x114: {  	[tilespmem:s1+$0x1E430] =	vst v18  }
0x115: {  	v18 =	vld [tilespmem:$0x1EC40];
	_ =	sdelay $0x4  }
0x116: {  	[tilespmem:s1+$0x1DC40] =	vst v18  }
0x117: {  	v18 =	vld [tilespmem:$0x1ED40];
	_ =	sdelay $0x4  }
0x118: {  	[tilespmem:s1+$0x1E440] =	vst v18  }
0x119: {  	v18 =	vld [tilespmem:$0x1EC50];
	_ =	sdelay $0x4  }
0x11a: {  	[tilespmem:s1+$0x1DC50] =	vst v18  }
0x11b: {  	v18 =	vld [tilespmem:$0x1ED50];
	_ =	sdelay $0x4  }
0x11c: {  	[tilespmem:s1+$0x1E450] =	vst v18  }
0x11d: {  	v18 =	vld [tilespmem:$0x1EC60];
	_ =	sdelay $0x4  }
0x11e: {  	[tilespmem:s1+$0x1DC60] =	vst v18  }
0x11f: {  	v18 =	vld [tilespmem:$0x1ED60];
	_ =	sdelay $0x4  }
0x120: {  	[tilespmem:s1+$0x1E460] =	vst v18  }
0x121: {  	v18 =	vld [tilespmem:$0x1EC70];
	_ =	sdelay $0x4  }
0x122: {  	[tilespmem:s1+$0x1DC70] =	vst v18  }
0x123: {  	v18 =	vld [tilespmem:$0x1ED70];
	_ =	sdelay $0x4  }
0x124: {  	[tilespmem:s1+$0x1E470] =	vst v18  }
0x125: {  	v18 =	vld [tilespmem:$0x1EC80]  }
0x126: {  	v19 =	vld [tilespmem:$0x1ED80]  }
0x127: {  	v20 =	vld [tilespmem:$0x1EC90]  }
0x128: {  	v21 =	vld [tilespmem:$0x1ED90]  }
0x129: {  	v22 =	vld [tilespmem:$0x1ECA0]  }
0x12a: {  	[tilespmem:$0x1EC00] =	vst v18;
	v18 =	vld [tilespmem:$0x1EDA0]  }
0x12b: {  	v58 =	vld [tilespmem:$0x1EDB0];
	[tilespmem:$0x1ED00] =	vst v19  }
0x12c: {  	v59 =	vld [tilespmem:$0x1ECC0];
	[tilespmem:$0x1EC10] =	vst v20  }
0x12d: {  	v60 =	vld [tilespmem:$0x1EDC0];
	[tilespmem:$0x1ED10] =	vst v21  }
0x12e: {  	v19 =	vld [tilespmem:$0x1ECB0];
	[tilespmem:$0x1EC20] =	vst v22  }
0x12f: {  	[tilespmem:$0x1ED20] =	vst v18;
	v18 =	vld [tilespmem:$0x1ECD0]  }
0x130: {  	v61 =	vld [tilespmem:$0x1ECE0];
	[tilespmem:$0x1ED30] =	vst v58  }
0x131: {  	v62 =	vld [tilespmem:$0x1EDE0];
	[tilespmem:$0x1EC40] =	vst v59  }
0x132: {  	v63 =	vld [tilespmem:$0x1ECF0];
	[tilespmem:$0x1ED40] =	vst v60  }
0x133: {  	[tilespmem:$0x1EC30] =	vst v19;
	v19 =	vld [tilespmem:$0x1EDD0]  }
0x134: {  	[tilespmem:$0x1EC50] =	vst v18;
	v18 =	vld [tilespmem:$0x1EDF0]  }
0x135: {  	[tilespmem:$0x1EC60] =	vst v61  }
0x136: {  	[tilespmem:$0x1ED60] =	vst v62  }
0x137: {  	[tilespmem:$0x1EC70] =	vst v63  }
0x138: {  	[tilespmem:$0x1ED50] =	vst v19  }
0x139: {  	s5 =	ssub.s32 s29, s30;
	s2 =	sadd.s32 $0x1DC00, s1;
	s1 =	sadd.s32 $0x1E400, s1;
	[tilespmem:$0x1ED70] =	vst v18  }
0x13a: {  	[spmem:s3] =	stream.indirect.scatter.add.f32 [tilespmem:s1], [sflag:$0x4], $0x1, s2, s22, $0xb8;
	[tilespmem:$0x1F600] =	vst v63  }
.Ltmp9:
0x13b: {  	p0 =	slt.s32 s5, $0x8;
	(pc) =	sbr.rel .LBB2_10-.Ltmp9, $4  }
0x13c: {  	s2 =	simm.s32 @!p0 $0x4  }
0x13d: {  	_ =	swait.ge @!p0 [sflag:s2], $0x80  }
0x13e: {  	s1 =	simm.s32 @!p0 $0x1;
	[sflag:s2] =	ssyncset.done @!p0 $0x0  }
0x13f: {  	s1 =	simm.s32 @p0 $0x0;
	[sflag:s2] =	ssyncadd.s32 @!p0 $0xFFFFFF80  }
.LBB2_11:
0x140: {  	p0 =	seq.s32 s31, $0x37  }
0x141: {  	s1 =	smul.u32 @!p0 $0x2A00, s31;
	_ =	sdelay $0x1  }
0x142: {  	s1 =	sadd.s32 @!p0 s1, s14  }
0x143: {  	s1 =	sshrl.u32 @!p0 s1, $0x3  }
0x144: {  	s5 =	simm.s32 @!p0 $0x0;
	s16 =	simm.s32 @!p0 $0x18800;
	s2 =	sadd.s32 @!p0 s6, s1  }
0x145: {  	[tilespmem:s16], [sflag:$0x1] =	stream.linear.gather @!p0 [hbm4b:s2+s5], $0x1500, $0x38;
	[tilespmem:$0x1F600] =	vst v63  }
0x146: {  	s1 =	sadd.s32 @!p0 s7, s1;
	s2 =	simm.s32 @!p0 $0x19D00  }
0x147: {  	[tilespmem:s2], [sflag:$0x1] =	stream.linear.gather @!p0 [hbm4b:s1+s5], $0x1500, $0x38;
	[tilespmem:$0x1F600] =	vst v63  }
0x148: {  	_ =	swait.ge [sflag:s23], $0x1500  }
.Ltmp10:
0x149: {  	[sflag:s23] =	ssyncset.done $0x0;
	(pc) =	sbr.rel .LBB2_12-.Ltmp10, $4  }
0x14a: {  	[sflag:s23] =	ssyncadd.s32 $0xFFFFEB00  }
0x14b: {  	_ =	swait.ge [sflag:s23], $0x1500  }
0x14c: {  	[sflag:s23] =	ssyncset.done $0x0  }
0x14d: {  	s16 =	simm.s32 $0x0;
	[sflag:s23] =	ssyncadd.s32 $0xFFFFEB00  }
.LBB2_14:
0x14e: {  	s16 =	sadd.s32 $0x200, s16  }
0x14f: {  	p2 =	sne.s32 s16, $0x5400  }
.Ltmp11:
0x150: {  	_ = 	snop;
	(pc) =	sbr.rel @!p2 .LBB2_15-.Ltmp11, $4  }
0x151: {  	_ = 	snop  }
0x152: {  	p1 =	sgt.s32 s0, $0x7F;
	s2 =	simm.s32 $0x1  }
0x153: {  	s5 =	sadd.s32 $0xFFFFFF80, s0;
	s2 =	simm.s32 @!p1 $0x0  }
0x154: {  	s30 =	sadd.s32 s1, s30;
	s0 =	smov.u32 @p1 s5;
	s29 =	sadd.s32 s2, s29  }
.LBB2_12:
0x155: {  	s1 =	sshra.s32 s16, $0x2  }
0x156: {  	v18 =	vld [tilespmem:s1+$0x1B200];
	_ =	sdelay $0x1  }
0x157: {  	v19 =	vld [tilespmem:s1+$0x1B210];
	_ =	sdelay $0x1  }
0x158: {  	v20 =	vld [tilespmem:s1+$0x1B220]  }
0x159: {  	v18 =	vsub.s32 v18, v17  }
0x15a: {  	v21 =	vld [tilespmem:s1+$0x1B230];
	vm0 =	vlt.u32 v18, $0x188000  }
0x15b: {  	v23 =	vld [tilespmem:s1+$0x1B240];
	v19 =	vsub.s32 v19, v17;
	v22 =	vmpcnt.ones.xlane vm0  }
0x15c: {  	v24 =	vld [tilespmem:s1+$0x1B250];
	vm1 =	vlt.u32 v19, $0x188000  }
0x15d: {  	v25 =	vld [tilespmem:s1+$0x1B260];
	v20 =	vsub.s32 v20, v17;
	v55 =	vmpcnt.ones.xlane vm1;
	(v2sf) =	vpush v22, $0x0  }
0x15e: {  	vm2 =	vlt.u32 v20, $0x188000  }
0x15f: {  	v26 =	vld [tilespmem:s1+$0x1B270];
	v21 =	vsub.s32 v21, v17;
	v56 =	vmpcnt.ones.xlane vm2;
	(v2sf) =	vpush v55, $0x0  }
0x160: {  	vm3 =	vlt.u32 v21, $0x188000  }
0x161: {  	v23 =	vsub.s32 v23, v17;
	v57 =	vmpcnt.ones.xlane vm3;
	(v2sf) =	vpush v56, $0x0  }
0x162: {  	v58 =	vsub.s32 v24, v17;
	v25 =	vsub.s32 v25, v17;
	vm4 =	vlt.u32 v23, $0x188000  }
0x163: {  	vm6 =	vlt.u32 v58, $0x188000;
	v27 =	vmpcnt.ones.xlane vm4;
	(v2sf) =	vpush v57, $0x0  }
0x164: {  	v26 =	vsub.s32 v26, v17;
	vm5 =	vlt.u32 v25, $0x188000;
	v28 =	vmpcnt.ones.xlane vm6  }
0x165: {  	v59 =	vld [tilespmem:s1+$0x1C700];
	vm7 =	vlt.u32 v26, $0x188000;
	v30 =	vmpcnt.ones.xlane vm5;
	(v2sf) =	vpush v27, $0x0  }
0x166: {  	v60 =	vld [tilespmem:s1+$0x1C710];
	v61 =	vmpcnt.ones.xlane vm7;
	(v2sf) =	vpush v28, $0x0  }
0x167: {  	v29 =	vld [tilespmem:s1+$0x1C720];
	(v2sf) =	vpush v30, $0x0  }
0x168: {  	v31 =	vld [tilespmem:s1+$0x1C730];
	(v2sf) =	vpush v61, $0x0  }
0x169: {  	v32 =	vld [tilespmem:s1+$0x1C740]  }
0x16a: {  	v62 =	vld [tilespmem:s1+$0x1C750]  }
0x16b: {  	v63 =	vld [tilespmem:s1+$0x1C760]  }
0x16c: {  	v33 =	vld [tilespmem:s1+$0x1C770];
	[tilespmem:s0+$0x1EC00] =	vst.msk vm0, v18;
	s2 =	spop (v2sf)  }
0x16d: {  	[tilespmem:s0+$0x1ED00] =	vst.msk vm0, v59;
	s1 =	sadd.s32 s0, s2  }
0x16e: {  	s5 =	spop (v2sf);
	[tilespmem:s1+$0x1EC00] =	vst.msk vm1, v19  }
0x16f: {  	s0 =	sadd.s32 s1, s5;
	[tilespmem:s1+$0x1ED00] =	vst.msk vm1, v60  }
0x170: {  	s2 =	spop (v2sf);
	[tilespmem:s0+$0x1EC00] =	vst.msk vm2, v20  }
0x171: {  	s1 =	sadd.s32 s0, s2;
	[tilespmem:s0+$0x1ED00] =	vst.msk vm2, v29  }
0x172: {  	s5 =	spop (v2sf);
	[tilespmem:s1+$0x1EC00] =	vst.msk vm3, v21  }
0x173: {  	s0 =	sadd.s32 s1, s5;
	[tilespmem:s1+$0x1ED00] =	vst.msk vm3, v31  }
0x174: {  	s2 =	spop (v2sf);
	[tilespmem:s0+$0x1EC00] =	vst.msk vm4, v23  }
0x175: {  	s5 =	spop (v2sf);
	s1 =	sadd.s32 s0, s2;
	[tilespmem:s0+$0x1ED00] =	vst.msk vm4, v32  }
0x176: {  	s2 =	spop (v2sf);
	s5 =	sadd.s32 s1, s5;
	[tilespmem:s1+$0x1EC00] =	vst.msk vm6, v58  }
0x177: {  	s2 =	sadd.s32 s5, s2;
	[tilespmem:s1+$0x1ED00] =	vst.msk vm6, v62;
	s1 =	spop (v2sf)  }
0x178: {  	s0 =	sadd.s32 s2, s1  }
0x179: {  	p1 =	slt.s32 s0, $0x80  }
.Ltmp12:
0x17a: {  	_ = 	snop;
	(pc) =	sbr.rel @p1 .LBB2_14-.Ltmp12, $4  }
0x17b: {  	[tilespmem:s5+$0x1EC00] =	vst.msk vm5, v25  }
0x17c: {  	[tilespmem:s5+$0x1ED00] =	vst.msk vm5, v63  }
0x17d: {  	[tilespmem:s2+$0x1EC00] =	vst.msk vm7, v26  }
0x17e: {  	s1 =	simm.s32 $0x0;
	[tilespmem:s2+$0x1ED00] =	vst.msk vm7, v33  }
0x17f: {  	v18 =	vld [tilespmem:$0x1EC00];
	_ =	sdelay $0x2  }
0x180: {  	s1 =	sshll.u32 s29, $0x7  }
0x181: {  	s1 =	sand.u32 $0x780, s1  }
0x182: {  	[tilespmem:s1+$0x1DC00] =	vst v18  }
0x183: {  	v18 =	vld [tilespmem:$0x1ED00];
	_ =	sdelay $0x4  }
0x184: {  	[tilespmem:s1+$0x1E400] =	vst v18  }
0x185: {  	v18 =	vld [tilespmem:$0x1EC10];
	_ =	sdelay $0x4  }
0x186: {  	[tilespmem:s1+$0x1DC10] =	vst v18  }
0x187: {  	v18 =	vld [tilespmem:$0x1ED10];
	_ =	sdelay $0x4  }
0x188: {  	[tilespmem:s1+$0x1E410] =	vst v18  }
0x189: {  	v18 =	vld [tilespmem:$0x1EC20];
	_ =	sdelay $0x4  }
0x18a: {  	[tilespmem:s1+$0x1DC20] =	vst v18  }
0x18b: {  	v18 =	vld [tilespmem:$0x1ED20];
	_ =	sdelay $0x4  }
0x18c: {  	[tilespmem:s1+$0x1E420] =	vst v18  }
0x18d: {  	v18 =	vld [tilespmem:$0x1EC30];
	_ =	sdelay $0x4  }
0x18e: {  	[tilespmem:s1+$0x1DC30] =	vst v18  }
0x18f: {  	v18 =	vld [tilespmem:$0x1ED30];
	_ =	sdelay $0x4  }
0x190: {  	[tilespmem:s1+$0x1E430] =	vst v18  }
0x191: {  	v18 =	vld [tilespmem:$0x1EC40];
	_ =	sdelay $0x4  }
0x192: {  	[tilespmem:s1+$0x1DC40] =	vst v18  }
0x193: {  	v18 =	vld [tilespmem:$0x1ED40];
	_ =	sdelay $0x4  }
0x194: {  	[tilespmem:s1+$0x1E440] =	vst v18  }
0x195: {  	v18 =	vld [tilespmem:$0x1EC50];
	_ =	sdelay $0x4  }
0x196: {  	[tilespmem:s1+$0x1DC50] =	vst v18  }
0x197: {  	v18 =	vld [tilespmem:$0x1ED50];
	_ =	sdelay $0x4  }
0x198: {  	[tilespmem:s1+$0x1E450] =	vst v18  }
0x199: {  	v18 =	vld [tilespmem:$0x1EC60];
	_ =	sdelay $0x4  }
0x19a: {  	[tilespmem:s1+$0x1DC60] =	vst v18  }
0x19b: {  	v18 =	vld [tilespmem:$0x1ED60];
	_ =	sdelay $0x4  }
0x19c: {  	[tilespmem:s1+$0x1E460] =	vst v18  }
0x19d: {  	v18 =	vld [tilespmem:$0x1EC70];
	_ =	sdelay $0x4  }
0x19e: {  	[tilespmem:s1+$0x1DC70] =	vst v18  }
0x19f: {  	v18 =	vld [tilespmem:$0x1ED70];
	_ =	sdelay $0x4  }
0x1a0: {  	[tilespmem:s1+$0x1E470] =	vst v18  }
0x1a1: {  	v18 =	vld [tilespmem:$0x1EC80]  }
0x1a2: {  	v19 =	vld [tilespmem:$0x1ED80]  }
0x1a3: {  	v20 =	vld [tilespmem:$0x1EC90]  }
0x1a4: {  	v21 =	vld [tilespmem:$0x1ED90]  }
0x1a5: {  	v22 =	vld [tilespmem:$0x1ECA0]  }
0x1a6: {  	[tilespmem:$0x1EC00] =	vst v18;
	v18 =	vld [tilespmem:$0x1EDA0]  }
0x1a7: {  	v58 =	vld [tilespmem:$0x1EDB0];
	[tilespmem:$0x1ED00] =	vst v19  }
0x1a8: {  	v59 =	vld [tilespmem:$0x1ECC0];
	[tilespmem:$0x1EC10] =	vst v20  }
0x1a9: {  	v60 =	vld [tilespmem:$0x1EDC0];
	[tilespmem:$0x1ED10] =	vst v21  }
0x1aa: {  	v19 =	vld [tilespmem:$0x1ECB0];
	[tilespmem:$0x1EC20] =	vst v22  }
0x1ab: {  	[tilespmem:$0x1ED20] =	vst v18;
	v18 =	vld [tilespmem:$0x1ECD0]  }
0x1ac: {  	v61 =	vld [tilespmem:$0x1ECE0];
	[tilespmem:$0x1ED30] =	vst v58  }
0x1ad: {  	v62 =	vld [tilespmem:$0x1EDE0];
	[tilespmem:$0x1EC40] =	vst v59  }
0x1ae: {  	v63 =	vld [tilespmem:$0x1ECF0];
	[tilespmem:$0x1ED40] =	vst v60  }
0x1af: {  	[tilespmem:$0x1EC30] =	vst v19;
	v19 =	vld [tilespmem:$0x1EDD0]  }
0x1b0: {  	[tilespmem:$0x1EC50] =	vst v18;
	v18 =	vld [tilespmem:$0x1EDF0]  }
0x1b1: {  	[tilespmem:$0x1EC60] =	vst v61  }
0x1b2: {  	[tilespmem:$0x1ED60] =	vst v62  }
0x1b3: {  	[tilespmem:$0x1EC70] =	vst v63  }
0x1b4: {  	[tilespmem:$0x1ED50] =	vst v19  }
0x1b5: {  	s5 =	ssub.s32 s29, s30;
	s2 =	sadd.s32 $0x1DC00, s1;
	s1 =	sadd.s32 $0x1E400, s1;
	[tilespmem:$0x1ED70] =	vst v18  }
0x1b6: {  	[spmem:s3] =	stream.indirect.scatter.add.f32 [tilespmem:s1], [sflag:$0x4], $0x1, s2, s22, $0xb8;
	[tilespmem:$0x1F600] =	vst v63  }
.Ltmp13:
0x1b7: {  	p1 =	slt.s32 s5, $0x8;
	(pc) =	sbr.rel .LBB2_14-.Ltmp13, $4  }
0x1b8: {  	s2 =	simm.s32 @!p1 $0x4  }
0x1b9: {  	_ =	swait.ge @!p1 [sflag:s2], $0x80  }
0x1ba: {  	s1 =	simm.s32 @!p1 $0x1;
	[sflag:s2] =	ssyncset.done @!p1 $0x0  }
0x1bb: {  	s1 =	simm.s32 @p1 $0x0;
	[sflag:s2] =	ssyncadd.s32 @!p1 $0xFFFFFF80  }
.LBB2_15:
.Ltmp14:
0x1bc: {  	(pc) =	sbr.rel @p0 .LBB2_17-.Ltmp14, $1  }
0x1bd: {  	_ =	sdelay $0x3  }
0x1be: {  	s1 =	smul.u32 $0x2A00, s31;
	_ =	sdelay $0x1  }
0x1bf: {  	s1 =	sadd.s32 s1, s15  }
.Ltmp15:
0x1c0: {  	s1 =	sshrl.u32 s1, $0x3;
	(pc) =	sbr.rel .LBB2_7-.Ltmp15, $4  }
0x1c1: {  	s2 =	sadd.s32 s6, s1  }
0x1c2: {  	[tilespmem:s18], [sflag:$0x2] =	stream.linear.gather [hbm4b:s2+s4], $0x1500, $0x38;
	[tilespmem:$0x1F600] =	vst v63  }
0x1c3: {  	s31 =	sadd.s32 $0x1, s31;
	s1 =	sadd.s32 s7, s1  }
0x1c4: {  	[tilespmem:s19], [sflag:$0x2] =	stream.linear.gather [hbm4b:s1+s4], $0x1500, $0x38;
	[tilespmem:$0x1F600] =	vst v63  }
.LBB2_17:
0x1c5: {  	p0 =	slt.s32 s30, s29  }
.Ltmp16:
0x1c6: {  	_ = 	snop;
	(pc) =	sbr.rel @!p0 .LBB2_21-.Ltmp16, $1  }
0x1c7: {  	_ =	sdelay $0x3  }
0x1c8: {  	s1 =	sadd.s32 $0x1, s30  }
0x1c9: {  	p0 =	slt.s32 s1, s29  }
.Ltmp17:
0x1ca: {  	_ = 	snop;
	(pc) =	sbr.rel @!p0 .LBB2_20-.Ltmp17, $3  }
0x1cb: {  	_ =	sdelay $0x1  }
0x1cc: {  	_ =	swait.ge [sflag:s24], $0x80  }
0x1cd: {  	[sflag:s24] =	ssyncset.done $0x0  }
.LBB2_19:
0x1ce: {  	s1 =	sadd.s32 $0x1, s1  }
0x1cf: {  	[sflag:s24] =	ssyncadd.s32 $0xFFFFFF80;
	p0 =	slt.s32 s1, s29  }
.Ltmp18:
0x1d0: {  	(pc) =	sbr.rel @p0 .LBB2_19-.Ltmp18, $3  }
0x1d1: {  	_ =	sdelay $0x1  }
0x1d2: {  	_ =	swait.ge [sflag:s24], $0x80  }
0x1d3: {  	[sflag:s24] =	ssyncset.done $0x0  }
.LBB2_20:
0x1d4: {  	[sflag:s24] =	ssyncadd.s32 $0xFFFFFF80  }
.LBB2_21:
0x1d5: {  	p0 =	slt.s32 s0, $0x1  }
.Ltmp19:
0x1d6: {  	_ = 	snop;
	(pc) =	sbr.rel @p0 .LBB2_23-.Ltmp19, $1  }
0x1d7: {  	_ =	sdelay $0x3  }
0x1d8: {  	v17 =	vld [tilespmem:$0x1ED00];
	_ =	sdelay $0x2  }
0x1d9: {  	v18 =	vmov s0  }
0x1da: {  	s31 =	sshll.u32 s29, $0x7;
	vm0 =	vgt.s32 v18, v0  }
0x1db: {  	s0 =	sand.u32 $0x780, s31;
	v17 =	vnsel vm0, $0x0, v17  }
0x1dc: {  	[tilespmem:s0+$0x1E400] =	vst v17  }
0x1dd: {  	v17 =	vld [tilespmem:$0x1EC00];
	_ =	sdelay $0x4  }
0x1de: {  	v17 =	vsel vm0, v17, v1  }
0x1df: {  	[tilespmem:s0+$0x1DC00] =	vst v17  }
0x1e0: {  	v17 =	vld [tilespmem:$0x1ED10];
	_ =	sdelay $0x3  }
0x1e1: {  	vm9 =	vgt.s32 v18, v3  }
0x1e2: {  	v17 =	vnsel vm9, $0x0, v17  }
0x1e3: {  	[tilespmem:s0+$0x1E410] =	vst v17  }
0x1e4: {  	v17 =	vld [tilespmem:$0x1EC10];
	_ =	sdelay $0x4  }
0x1e5: {  	v17 =	vsel vm9, v17, v4  }
0x1e6: {  	[tilespmem:s0+$0x1DC10] =	vst v17  }
0x1e7: {  	v17 =	vld [tilespmem:$0x1ED20];
	_ =	sdelay $0x3  }
0x1e8: {  	vm10 =	vgt.s32 v18, v5  }
0x1e9: {  	v17 =	vnsel vm10, $0x0, v17  }
0x1ea: {  	[tilespmem:s0+$0x1E420] =	vst v17  }
0x1eb: {  	v17 =	vld [tilespmem:$0x1EC20];
	_ =	sdelay $0x4  }
0x1ec: {  	v17 =	vsel vm10, v17, v6  }
0x1ed: {  	[tilespmem:s0+$0x1DC20] =	vst v17  }
0x1ee: {  	v17 =	vld [tilespmem:$0x1ED30];
	_ =	sdelay $0x3  }
0x1ef: {  	vm11 =	vgt.s32 v18, v7  }
0x1f0: {  	v17 =	vnsel vm11, $0x0, v17  }
0x1f1: {  	[tilespmem:s0+$0x1E430] =	vst v17  }
0x1f2: {  	v17 =	vld [tilespmem:$0x1EC30];
	_ =	sdelay $0x4  }
0x1f3: {  	v17 =	vsel vm11, v17, v8  }
0x1f4: {  	[tilespmem:s0+$0x1DC30] =	vst v17  }
0x1f5: {  	v17 =	vld [tilespmem:$0x1ED40];
	_ =	sdelay $0x3  }
0x1f6: {  	vm12 =	vgt.s32 v18, v9  }
0x1f7: {  	v17 =	vnsel vm12, $0x0, v17  }
0x1f8: {  	[tilespmem:s0+$0x1E440] =	vst v17  }
0x1f9: {  	v17 =	vld [tilespmem:$0x1EC40];
	_ =	sdelay $0x4  }
0x1fa: {  	v17 =	vsel vm12, v17, v10  }
0x1fb: {  	[tilespmem:s0+$0x1DC40] =	vst v17  }
0x1fc: {  	v17 =	vld [tilespmem:$0x1ED50];
	_ =	sdelay $0x3  }
0x1fd: {  	vm13 =	vgt.s32 v18, v11  }
0x1fe: {  	v17 =	vnsel vm13, $0x0, v17  }
0x1ff: {  	[tilespmem:s0+$0x1E450] =	vst v17  }
0x200: {  	v17 =	vld [tilespmem:$0x1EC50];
	_ =	sdelay $0x4  }
0x201: {  	v17 =	vsel vm13, v17, v12  }
0x202: {  	[tilespmem:s0+$0x1DC50] =	vst v17  }
0x203: {  	v17 =	vld [tilespmem:$0x1ED60];
	_ =	sdelay $0x3  }
0x204: {  	vm14 =	vgt.s32 v18, v13  }
0x205: {  	v17 =	vnsel vm14, $0x0, v17  }
0x206: {  	[tilespmem:s0+$0x1E460] =	vst v17  }
0x207: {  	v17 =	vld [tilespmem:$0x1EC60];
	_ =	sdelay $0x4  }
0x208: {  	v17 =	vsel vm14, v17, v14  }
0x209: {  	[tilespmem:s0+$0x1DC60] =	vst v17  }
0x20a: {  	v17 =	vld [tilespmem:$0x1ED70];
	_ =	sdelay $0x3  }
0x20b: {  	vm15 =	vgt.s32 v18, v15  }
0x20c: {  	v17 =	vnsel vm15, $0x0, v17  }
0x20d: {  	[tilespmem:s0+$0x1E470] =	vst v17  }
0x20e: {  	v17 =	vld [tilespmem:$0x1EC70];
	_ =	sdelay $0x4  }
0x20f: {  	v17 =	vsel vm15, v17, v16  }
.Ltmp20:
0x210: {  	s1 =	sadd.s32 $0x1E400, s0;
	s2 =	sadd.s32 $0x1DC00, s0;
	[tilespmem:s0+$0x1DC70] =	vst v17;
	(pc) =	sbr.rel .LBB2_23-.Ltmp20, $4  }
0x211: {  	[spmem:s3] =	stream.indirect.scatter.add.f32 [tilespmem:s1], [sflag:$0x5], $0x1, s2, s22, $0xb8;
	[tilespmem:$0x1F600] =	vst v63  }
0x212: {  	_ =	swait.ge [sflag:s25], $0x80  }
0x213: {  	[sflag:s25] =	ssyncset.done $0x0  }
0x214: {  	[sflag:s25] =	ssyncadd.s32 $0xFFFFFF80  }
.LBB2_25:
0x215: {  	_ =	sfence.sel $0x180000  }
0x216: {  	[bflag:$0x0] =	sbarrier.arrive $0xFFFF  }
0x217: {  	_ =	strace $0x90000047  }
0x218: {  	s0 =	stileid.u32;
	[bflag:$0x2] =	sbarrier.arrive $0xFFFF  }
0x219: {  	p0 =	sne.s32 s0, $0x0;
	s0 =	rddreg [dreg:$0x3]  }
0x21a: {  	s0 =	sadd.s32 @!p0 $0x100000, s0  }
0x21b: {  	[sflag:s0] =	ssyncadd.tile.s32 @!p0 $0x1;
	_ =	shalt  }
.Lfunc_end2:
_tile_overlayer_lowered:
.L_overlay_start_2:
0x21c: {  	(tag) =	ssettag $0x2  }
0x21d: {  	s0 =	rddreg [dreg:$0x0];
	s2 =	stileid.u32  }
0x21e: {  	s1 =	rddreg [dreg:$0x1];
	p0 =	sne.s32 s2, $0x0  }
0x21f: {  	s3 =	rddreg [dreg:$0x2];
	[bflag:$0x3] =	sbarrier.arrive $0xFFFF;
	s2 =	simm.s32 @!p0 $0x1C05  }
0x220: {  	[timem:s3], [sflag:s2] =	dma.local @!p0 [hbm:s0], s1  }
0x221: {  	s0 =	simm.s32 @!p0 $0x5  }
0x222: {  	_ =	swait.ge @!p0 [sflag:s0], s1  }
0x223: {  	s1 =	ssub.s32 @!p0 $0x0, s1;
	[sflag:s0] =	ssyncset.done @!p0 $0x0  }
0x224: {  	[sflag:s0] =	ssyncadd.s32 @!p0 s1  }
0x225: {  	[bflag:$0x3] =	sbarrier.arrive $0xFFFF  }
0x226: {  	_ =	shalt  }

// kernel: sparse-core-data-format-call.cloned.1.call-start
scs
called_computation_lowered:
.L_overlay_start_0:
0x0: {  	s2 =	sld [smem:$0x3FD9]  }
0x1: {  	s3 =	sld [smem:$0x3FFE];
	_ =	sdelay $0x1  }
0x2: {  	s1 =	srdreg.scid  }
0x3: {  	s0 =	sand.u32 $0x1, s1  }
0x4: {  	s18 =	sshll.u32 s0, $0xA;
	s2 =	sadd.s32 s3, s2  }
0x5: {  	s2 =	sadd.s32 s2, s18  }
0x6: {  	[smem:$0x3FC6] =	sst s2  }
0x7: {  	_ = 	snop  }
0x8: {  	s2 =	sld [smem:$0x3FD0];
	(tm) =	ssettm $0x1  }
0x9: {  	s19 =	sld [smem:$0x3FFB];
	_ =	sdelay $0x3  }
0xa: {  	_ =	strace s19  }
0xb: {  	s3 =	sld [smem:$0x3FFC];
	_ =	sdelay $0x3  }
0xc: {  	_ =	strace s3  }
0xd: {  	s3 =	sld [smem:$0x3FFD];
	_ =	sdelay $0x3  }
0xe: {  	_ =	strace s3  }
0xf: {  	_ =	strace $0x8FFFFFFF  }
0x10: {  	s20 =	sld [smem:$0x3FDB];
	_ =	sdelay $0x1  }
0x11: {  	s4 =	simm.s32 $_scs_section_size  }
0x12: {  	s5 =	simm.s32 $_size__tile_overlayer_lowered;
	s6 =	simm.s32 $_tile_overlayer_lowered  }
0x13: {  	s23 =	simm.s32 $0x1BFF;
	s22 =	sshll.u32 s6, $0x1;
	s3 =	sadd.s32 s4, s20  }
0x14: {  	s7 =	simm.s32 $0x0;
	s21 =	sshll.u32 s5, $0x1;
	s5 =	sadd.s32 s22, s3  }
0x15: {  	[timem:s7], [sflag:s23] =	dma.local [hbm:s5], s21  }
0x16: {  	_ =	swait.ge [sflag:s23], s21  }
0x17: {  	s4 =	ssub.s32 $0x0, s21;
	[sflag:s23] =	ssyncset.done $0x0  }
0x18: {  	[sflag:s23] =	ssyncadd.s32 s4;
	_ =	sdelay $0x1  }
0x19: {  	s24 =	simm.s32 $0x1B8B  }
0x1a: {  	_ =	swait.ge [sflag:s24], $0x1  }
0x1b: {  	[sflag:s24] =	ssyncset.done $0x0  }
0x1c: {  	s26 =	simm.s32 $0x1B8E;
	s25 =	sld [smem:$0x3FFE];
	[sflag:s24] =	ssyncadd.s32 $0xFFFFFFFF  }
0x1d: {  	s27 =	simm.s32 $execute0_lowered;
	[smem:$0x3FD2] =	sst s26  }
0x1e: {  	s5 =	sshll.u32 s27, $0x1;
	_ =	strace $0x80000049;
	[dreg:$0x1] =	wrdreg $0xFFFFFFFF  }
0x1f: {  	s28 =	simm.s32 $_size_execute0_lowered;
	s3 =	sadd.s32 s3, s5;
	[dreg:$0x0] =	wrdreg $0x0  }
0x20: {  	s5 =	sshll.u32 s28, $0x1;
	[dreg:$0x2] =	wrdreg s3  }
0x21: {  	[dreg:$0x3] =	wrdreg s5  }
0x22: {  	[dreg:$0x4] =	wrdreg $0xC0  }
0x23: {  	_ =	task [dreg:s7], $0x5FFFF  }
0x24: {  	[dreg:$0x1] =	wrdreg $0xFFFFFFFF  }
0x25: {  	[dreg:$0x0] =	wrdreg $0x60  }
0x26: {  	[dreg:$0x2] =	wrdreg s25  }
0x27: {  	[dreg:$0x3] =	wrdreg s2  }
0x28: {  	[dreg:$0x4] =	wrdreg $0x9  }
0x29: {  	_ =	task.clear_ibuf [dreg:s7], $0x5FFFF;
	_ =	strace $0x90000049  }
0x2a: {  	s29 =	simm.s32 $0x9;
	_ =	strace $0x8000004B  }
0x2b: {  	_ =	swait.ge [sflag:s29], $0x1  }
0x2c: {  	[sflag:s29] =	ssyncadd.s32 $0xFFFFFFFF  }
0x2d: {  	_ =	strace $0x9000004B  }
0x2e: {  	_ =	sfence  }
0x2f: {  	s30 =	sld [smem:$0x0];
	_ =	sdelay $0x2  }
0x30: {  	s31 =	sshll.u32 s1, $0xD;
	s1 =	sshrl.u32 s1, $0x2  }
0x31: {  	s3 =	sand.u32 $0x4000, s31;
	s1 =	sadd.s32 s1, s30  }
0x32: {  	s0 =	sor.u32 s3, s0;
	s1 =	sshll.u32 s1, $0x11  }
0x33: {  	s0 =	sor.u32 s1, s0  }
0x34: {  	s0 =	sadd.s32 $0x8F2B, s0  }
0x35: {  	[sflag:s0] =	ssyncadd.remote.s32 $0x1  }
0x36: {  	_ =	sfence.sel $0xFFFF  }
0x37: {  	[dreg:$0x0] =	wrdreg $0xFFFFFFFF;
	(pc) =	sbr.abs _section_cstart, $3  }
0x38: {  	[dreg:$0x1] =	wrdreg $0xFFFFFFFF  }
0x39: {  	_ =	task.clear_ibuf [dreg:s7], $0x2FFFF;
	_ =	strace $0x9FFFFFFF  }
0x3a: {  	(tm) =	ssettm $0x7FFFFFFF  }
0x3b: {  	_ =	shalt  }
tec
execute0_lowered:
.L_overlay_start_1:
0x0: {  	(tag) =	ssettag $0x1  }
0x1: {  	s0 =	rddreg [dreg:$0x0]  }
0x2: {  	s1 =	srdreg.scid;
	_ =	strace $0x8000004A;
	s2 =	stileid.u32  }
0x3: {  	s30 =	simm.s32 $0x1;
	s31 =	simm.s32 $0x2;
	s15 =	simm.s32 $0x0  }
0x4: {  	s16 =	simm.s32 $0x0;
	s17 =	simm.s32 $0x0;
	s8 =	simm.s32 $0x0  }
0x5: {  	s10 =	simm.s32 $0x0;
	s12 =	simm.s32 $0x0;
	s11 =	simm.s32 $0x0  }
.Ltmp0:
0x6: {  	s9 =	simm.s32 $0x0;
	s29 =	sshll.u32 s1, $0x4;
	(pc) =	sbr.rel .LBB1_1-.Ltmp0, $4  }
0x7: {  	s6 =	sadd.s32 $0x800, s0;
	[sflag:s30] =	ssyncpa.u1 $0x0;
	s0 =	sand.u32 $0x10, s29  }
0x8: {  	s7 =	sand.u32 $0x7, s2;
	[dreg:$0x3] =	wrdreg s6;
	s0 =	sor.u32 s2, s0  }
0x9: {  	[sflag:s31] =	ssyncpa.u1 $0x0;
	[dreg:$0x4] =	wrdreg s7;
	s22 =	sshrl.u32 s0, $0x3  }
0xa: {  	s14 =	smov.u32 s7;
	s13 =	smov.u32 s22;
	[dreg:$0x5] =	wrdreg s22  }
.LBB1_9:
0xb: {  	p0 =	sgt.s32 s8, $0x80;
	s3 =	smul.u32 $0xA8000, s12  }
0xc: {  	s0 =	smov.u32 s8;
	s1 =	sshrl.u32 s8, $0x5;
	s27 =	smul.u32 $0xC00, s10  }
0xd: {  	s4 =	sshrl.u32 s8, $0x3;
	s5 =	rddreg [dreg:$0x1];
	s0 =	simm.s32 @!p0 $0x80  }
0xe: {  	s28 =	sand.u32 $0x7, s8;
	s1 =	sand.u32 $0xFFFFFC, s1;
	s0 =	sadd.s32 s19, s0  }
0xf: {  	s29 =	rddreg [dreg:$0x6];
	s26 =	smulhi.u32 $0x2AAAAAB, s1;
	s2 =	sadd.s32 $0xFFFFFF80, s0  }
0x10: {  	s6 =	rddreg [dreg:$0x3];
	s0 =	ssub.s32 $0x100, s0;
	p0 =	sgt.s32 s2, $0x7F  }
0x11: {  	s7 =	rddreg [dreg:$0x4];
	s2 =	smul.u32 $0x60, s26;
	s0 =	simm.s32 @p0 $0x0  }
0x12: {  	s31 =	simm.s32 $0x800;
	s22 =	rddreg [dreg:$0x5];
	s0 =	smul.u32 s0, s18  }
0x13: {  	s4 =	sand.u32 $0xF, s4;
	s3 =	sadd.s32 s5, s3;
	s1 =	ssub.s32 s1, s2  }
0x14: {  	s2 =	sadd.s32 s27, s3;
	s3 =	sshll.u32 s28, $0x12;
	s0 =	smul.u32 $0x60, s0  }
0x15: {  	s1 =	sshll.u32 s1, $0x5;
	s2 =	sadd.s32 s4, s2;
	s4 =	sor.u32 $0x8000, s29  }
0x16: {  	s30 =	sor.u32 $0x400, s3;
	s1 =	sadd.s32 s1, s2;
	s0 =	sand.u32 $0x3FFFFFE0, s0  }
0x17: {  	[hbm4b:s1+s30] =	stream.strided.scatter [tilespmem:s4], [sflag:$0x2], s0, s31, s30, $0x20;
	[tilespmem:$0x10100] =	vst v63  }
.LBB1_10:
0x18: {  	p0 =	slt.u32 s9, $0x2  }
0x19: {  	p1 =	sgt.s32 @!p0 s17, $0x7  }
0x1a: {  	s0 =	smov.u32 s17;
	s1 =	sshra.s32 @!p0 s17, $0x1F;
	p1 =	por !p1, p0  }
0x1b: {  	s2 =	smov.u32 s16;
	s1 =	sand.u32 @!p0 s1, s17;
	s0 =	simm.s32 @p1 $0x7  }
0x1c: {  	s3 =	sshra.s32 @!p0 s16, $0x1F;
	p1 =	sgt.s32 @!p0 s16, $0xDF;
	s0 =	ssub.s32 @!p0 s0, s1  }
0x1d: {  	s4 =	sshra.s32 @!p0 s15, $0x1F;
	p2 =	por !p1, p0;
	s1 =	sadd.s32 @!p0 $0xFFFFFFF9, s0  }
0x1e: {  	s2 =	simm.s32 @p2 $0xDF;
	p1 =	sgt.s32 @!p0 s1, $0x0;
	s1 =	sand.u32 @!p0 s3, s16  }
0x1f: {  	s0 =	ssub.s32 @!p0 $0x8, s0;
	p2 =	sgt.s32 @!p0 s15, $0x80;
	s1 =	ssub.s32 @!p0 s2, s1  }
0x20: {  	p2 =	por !p2, p0;
	s3 =	smov.u32 s15;
	s2 =	sadd.s32 @!p0 $0xFFFFFF21, s1  }
0x21: {  	s3 =	simm.s32 @p2 $0x80;
	p2 =	sgt.s32 @!p0 s2, $0x0;
	s2 =	sand.u32 @!p0 s4, s15  }
0x22: {  	s0 =	smul.u32 @!p0 $0x60, s0;
	p1 =	por !p1, p0;
	s2 =	ssub.s32 @!p0 s3, s2  }
0x23: {  	s1 =	ssub.s32 @!p0 $0xE0, s1;
	p2 =	por !p2, p0;
	s3 =	sadd.s32 @!p0 $0xFFFFFF80, s2  }
0x24: {  	s0 =	simm.s32 @!p1 $0x0;
	s1 =	simm.s32 @!p2 $0x0;
	p2 =	sgt.s32 @!p0 s3, $0x7F  }
0x25: {  	s2 =	ssub.s32 @!p0 $0x100, s2;
	s0 =	smul.u32 @!p0 s1, s0;
	p1 =	por !p2, p0  }
0x26: {  	s1 =	sadd.s32 $0x80, s11;
	s3 =	smov.u32 s13;
	s2 =	simm.s32 @!p1 $0x0  }
0x27: {  	p1 =	sgt.s32 s1, $0xDF;
	s0 =	smul.u32 @!p0 s2, s0;
	s2 =	sadd.s32 $0x4, s13  }
0x28: {  	s3 =	smov.u32 @p1 s2  }
0x29: {  	s5 =	smov.u32 s14;
	s2 =	sadd.s32 $0x8, s14;
	p2 =	sgt.s32 s3, $0xDF  }
0x2a: {  	s9 =	sadd.s32 $0x1, s9;
	s5 =	smov.u32 @p2 s2  }
0x2b: {  	s17 =	smov.u32 s12;
	s1 =	simm.s32 @p1 $0x0;
	p1 =	sgt.s32 s5, $0x7  }
0x2c: {  	s12 =	smov.u32 s14;
	s5 =	smov.u32 @p1 s7;
	p1 =	sne.s32 s9, $0x72  }
.Ltmp1:
0x2d: {  	s16 =	smov.u32 s10;
	s10 =	smov.u32 s13;
	(pc) =	sbr.rel @!p1 .LBB1_11-.Ltmp1, $4  }
0x2e: {  	s4 =	simm.s32 @!p0 $0x2;
	s15 =	smov.u32 s8;
	s0 =	sand.u32 @!p0 $0x3FFFFFE0, s0  }
0x2f: {  	s8 =	smov.u32 s11;
	s11 =	smov.u32 s1;
	_ =	swait.ge @!p0 [sflag:s4], s0  }
0x30: {  	s0 =	ssub.s32 @!p0 $0x0, s0;
	s3 =	smov.u32 @p2 s22;
	[sflag:s4] =	ssyncset.done @!p0 $0x0  }
0x31: {  	s13 =	smov.u32 s3;
	[sflag:s4] =	ssyncadd.s32 @!p0 s0;
	s14 =	smov.u32 s5  }
.LBB1_1:
0x32: {  	p0 =	sgt.u32 s9, $0x6F;
	s18 =	smov.u32 s14  }
0x33: {  	s0 =	sand.u32 @!p0 $0x1FFFFFF, s11;
	p1 =	sgt.s32 @!p0 s14, $0x7;
	s19 =	sshra.s32 @!p0 s14, $0x1F  }
0x34: {  	s20 =	sshra.s32 @!p0 s13, $0x1F;
	s1 =	smulhi.u32 @!p0 $0x2492493, s0;
	p1 =	por !p1, p0  }
0x35: {  	s19 =	sand.u32 @!p0 s19, s14;
	s20 =	sand.u32 @!p0 s20, s13;
	s18 =	simm.s32 @p1 $0x7  }
0x36: {  	p1 =	sgt.s32 @!p0 s13, $0xDF;
	s1 =	sshrl.u32 @!p0 s1, $0x1;
	s18 =	ssub.s32 @!p0 s18, s19  }
0x37: {  	p1 =	por !p1, p0;
	s19 =	smov.u32 s13;
	s1 =	smul.u32 @!p0 $0xE0, s1  }
0x38: {  	s19 =	simm.s32 @p1 $0xDF;
	p1 =	sgt.s32 @!p0 s11, $0x60;
	s18 =	sadd.s32 @!p0 $0xFFFFFFF9, s18  }
0x39: {  	s19 =	ssub.s32 @!p0 s19, s20;
	p1 =	por !p1, p0;
	s20 =	smov.u32 s11  }
0x3a: {  	p2 =	sgt.s32 @!p0 s18, $0x0;
	s18 =	sshll.u32 @!p0 s18, $0x7;
	s21 =	sadd.s32 @!p0 $0xFFFFFF21, s19  }
0x3b: {  	s20 =	simm.s32 @p1 $0x60;
	p1 =	sgt.s32 @!p0 s21, $0x0;
	s21 =	sshra.s32 @!p0 s11, $0x1F  }
0x3c: {  	s19 =	ssub.s32 @!p0 $0xE0, s19;
	s18 =	ssub.s32 @!p0 $0x80, s18;
	s21 =	sand.u32 @!p0 s21, s11  }
0x3d: {  	p2 =	por !p2, p0;
	p1 =	por !p1, p0;
	s20 =	ssub.s32 @!p0 s20, s21  }
0x3e: {  	s18 =	simm.s32 @!p2 $0x0;
	s19 =	simm.s32 @!p1 $0x0;
	s21 =	sadd.s32 @!p0 $0xFFFFFFA0, s20  }
0x3f: {  	s0 =	ssub.s32 @!p0 s0, s1;
	s18 =	smul.u32 @!p0 s19, s18;
	p1 =	sgt.s32 @!p0 s21, $0x7F  }
0x40: {  	s19 =	ssub.s32 @!p0 $0xE0, s20;
	s20 =	smul.u32 @!p0 $0xC4000, s14;
	p1 =	por !p1, p0  }
0x41: {  	s1 =	smul.u32 @!p0 $0xE00, s13;
	s21 =	sxor.u32 @!p0 $0xFFFFFFFF, s9;
	s19 =	simm.s32 @!p1 $0x0  }
0x42: {  	s21 =	sshll.u32 @!p0 s21, $0xE;
	s18 =	smul.u32 @!p0 s19, s18;
	s19 =	sadd.s32 @!p0 s6, s20  }
0x43: {  	s0 =	sshll.u32 @!p0 s0, $0x4;
	s20 =	sand.u32 @!p0 $0x4000, s21;
	s1 =	sadd.s32 @!p0 s1, s19  }
0x44: {  	s18 =	sand.u32 @!p0 $0x3FFFFF80, s18;
	s0 =	sadd.s32 @!p0 s0, s1;
	s1 =	simm.s32 @!p0 $0x0  }
0x45: {  	[tilespmem:s20], [sflag:$0x1] =	stream.linear.gather @!p0 [hbm4b:s0+s1], s18, $0x38;
	[tilespmem:$0x10100] =	vst v63  }
0x46: {  	p0 =	seq.s32 s9, $0x0  }
0x47: {  	p1 =	seq.s32 @!p0 s9, $0x71  }
0x48: {  	p0 =	por p0, p1  }
.Ltmp2:
0x49: {  	_ = 	snop;
	(pc) =	sbr.rel @p0 .LBB1_10-.Ltmp2, $1  }
0x4a: {  	_ =	sdelay $0x3  }
0x4b: {  	p0 =	sgt.s32 s12, $0x7;
	s0 =	smov.u32 s12;
	s1 =	sshra.s32 s12, $0x1F  }
0x4c: {  	s18 =	sshra.s32 s10, $0x1F;
	s26 =	ssub.s32 $0x0, s8;
	s27 =	sshra.s32 s8, $0x1F  }
0x4d: {  	p1 =	sgt.s32 s8, $0x60;
	s20 =	smov.u32 s8;
	s0 =	simm.s32 @!p0 $0x7  }
0x4e: {  	s1 =	sand.u32 s1, s12;
	p0 =	sgt.s32 s10, $0xDF;
	s18 =	sand.u32 s18, s10  }
0x4f: {  	s20 =	simm.s32 @!p1 $0x60;
	s0 =	ssub.s32 s0, s1;
	s1 =	smov.u32 s10  }
0x50: {  	s19 =	sadd.s32 $0xFFFFFFF9, s0;
	s1 =	simm.s32 @!p0 $0xDF;
	s0 =	ssub.s32 $0x8, s0  }
0x51: {  	p0 =	sgt.s32 s19, $0x0;
	s1 =	ssub.s32 s1, s18;
	s19 =	sand.u32 s26, s27  }
0x52: {  	s21 =	sadd.s32 $0xFFFFFF21, s1;
	s1 =	ssub.s32 $0xE0, s1;
	s18 =	sadd.s32 s19, s20  }
0x53: {  	s0 =	simm.s32 @p0 $0x0;
	p1 =	sgt.s32 s21, $0x0;
	s20 =	sadd.s32 $0xFFFFFFA0, s18  }
0x54: {  	s1 =	simm.s32 @p1 $0x0;
	s28 =	sshll.u32 s20, $0x7;
	p0 =	sgt.s32 s20, $0x7F  }
0x55: {  	s18 =	smul.u32 s0, s1;
	s0 =	ssub.s32 $0x4000, s28;
	s1 =	sadd.s32 $0x1, s12  }
0x56: {  	s20 =	sadd.s32 $0x1, s10;
	s0 =	simm.s32 @p0 $0x0;
	p0 =	slt.s32 s1, $0x8  }
0x57: {  	s1 =	simm.s32 @!p0 $0x8;
	p0 =	slt.s32 s20, $0xE0  }
0x58: {  	s21 =	ssub.s32 s1, s12;
	s20 =	simm.s32 @!p0 $0xE0;
	s1 =	sadd.s32 $0x80, s8  }
0x59: {  	s22 =	ssub.s32 s20, s10;
	p1 =	slt.s32 s1, $0xE0;
	p0 =	slt.s32 s21, $0x1  }
0x5a: {  	s1 =	simm.s32 @!p1 $0xE0;
	p1 =	slt.s32 @!p0 s22, $0x1  }
0x5b: {  	s23 =	ssub.s32 s1, s8;
	p1 =	por p0, p1  }
0x5c: {  	p2 =	slt.s32 @!p1 s23, $0x1  }
0x5d: {  	s0 =	smul.u32 s18, s0;
	p1 =	por p1, p2  }
.Ltmp3:
0x5e: {  	_ = 	snop;
	(pc) =	sbr.rel @p1 .LBB1_9-.Ltmp3, $4  }
0x5f: {  	s2 =	simm.s32 $0x1;
	s29 =	sand.u32 $0x3FFFFF80, s0;
	s0 =	sand.u32 $0x1, s9  }
0x60: {  	_ =	swait.ge [sflag:s2], s29;
	s31 =	smul.u32 $0x4080, s0  }
0x61: {  	s30 =	ssub.s32 $0x0, s29;
	[sflag:s2] =	ssyncset.done $0x0  }
0x62: {  	[sflag:s2] =	ssyncadd.s32 s30;
	[dreg:$0x6] =	wrdreg s31  }
0x63: {  	s24 =	sshll.u32 @!p0 s0, $0xE;
	s0 =	rddreg [dreg:$0x6]  }
0x64: {  	s26 =	simm.s32 $0x0;
	s25 =	sor.u32 @!p0 $0x8000, s0  }
.LBB1_4:
0x65: {  	s27 =	simm.s32 $0x0  }
.LBB1_5:
0x66: {  	s0 =	sadd.s32 s26, s27  }
0x67: {  	s1 =	sshll.u32 s0, $0x10  }
0x68: {  	s1 =	sshra.s32 s1, $0x2  }
0x69: {  	s1 =	sadd.s32 s1, s24  }
0x6a: {  	s29 =	simm.s32 $0x0;
	s7 =	simm.s32 $0x0;
	s0 =	smul.u32 $0x10200, s0;
	v0 =	vmov s1  }
0x6b: {  	s31 =	simm.s32 $0x10;
	s4 =	simm.s32 $0x30;
	s3 =	simm.s32 $0x50  }
0x6c: {  	s31 =	sand.u32 $0x78, s31;
	s4 =	sand.u32 $0x78, s4;
	s0 =	sshra.s32 s0, $0x2  }
0x6d: {  	s31 =	smul.u32 $0x204, s31;
	s28 =	sadd.s32 s0, s25;
	s0 =	sand.u32 $0x78, s7  }
0x6e: {  	s4 =	smul.u32 $0x204, s4;
	s1 =	sand.u32 $0x3F80, s29;
	s2 =	sxor.u32 $0x40, s0  }
0x6f: {  	s30 =	simm.s32 $0x1;
	s3 =	sand.u32 $0x78, s3;
	s2 =	smul.u32 $0x204, s2;
	v1 =	vld.idx.msk [tilespmem:v0+s1+$0x40 ss:$0x1], $0xffff  }
0x70: {  	p0 =	sne.s32 s23, $0x1;
	s5 =	sand.u32 $0x7F, s29;
	s3 =	smul.u32 $0x204, s3  }
0x71: {  	s7 =	simm.s32 $0x20;
	s0 =	smul.u32 $0x204, s0;
	s2 =	sshrl.u32 s2, $0x2;
	v2 =	vld.idx.msk [tilespmem:v0+s1+$0x0 ss:$0x1], $0xffff  }
0x72: {  	s31 =	sshrl.u32 s31, $0x2;
	s7 =	sand.u32 $0x78, s7;
	v3 =	vld.idx.msk [tilespmem:v0+s1+$0x10 ss:$0x1], $0xffff;
	s2 =	sadd.s32 s2, s28  }
0x73: {  	s7 =	smul.u32 $0x204, s7;
	s0 =	sshrl.u32 s0, $0x2;
	v4 =	vld.idx.msk [tilespmem:v0+s1+$0x20 ss:$0x1], $0xffff;
	s2 =	sadd.s32 s5, s2  }
.Ltmp4:
0x74: {  	s4 =	sshrl.u32 s4, $0x2;
	s0 =	sadd.s32 s0, s28;
	[tilespmem:s2+$0x0 ss:$0x81] =	vst.msk $0xffff, v1;
	v1 =	vld.idx.msk [tilespmem:v0+s1+$0x30 ss:$0x1], $0xffff;
	(pc) =	sbr.rel @!p0 .LBB1_7-.Ltmp4, $4  }
0x75: {  	s20 =	sadd.s32 s31, s28;
	s7 =	sshrl.u32 s7, $0x2;
	s0 =	sadd.s32 s5, s0  }
0x76: {  	s3 =	sshrl.u32 s3, $0x2;
	s7 =	sadd.s32 s7, s28;
	[tilespmem:s0+$0x0 ss:$0x81] =	vst.msk $0xffff, v2;
	s2 =	sadd.s32 s5, s20;
	v2 =	vld.idx.msk [tilespmem:v0+s1+$0x50 ss:$0x1], $0xffff  }
0x77: {  	s6 =	sadd.s32 s4, s28;
	s20 =	sadd.s32 s5, s7;
	[tilespmem:s2+$0x0 ss:$0x81] =	vst.msk $0xffff, v3;
	s2 =	sadd.s32 s3, s28  }
0x78: {  	s31 =	simm.s32 $0x2808;
	s1 =	sadd.s32 s5, s6;
	[tilespmem:s20+$0x0 ss:$0x81] =	vst.msk $0xffff, v4;
	s0 =	sadd.s32 s5, s2  }
.LBB1_6:
0x79: {  	s2 =	sadd.s32 $0xFFFFD800, s31;
	s3 =	sadd.s32 $0xFFFFE000, s31;
	[tilespmem:s1+$0x0 ss:$0x81] =	vst.msk $0xffff, v1;
	s1 =	smov.u32 s30  }
0x7a: {  	s30 =	sadd.s32 $0x1, s30;
	s29 =	sadd.s32 $0x80, s29;
	s4 =	sadd.s32 $0xFFFFE800, s31  }
0x7b: {  	s5 =	sadd.s32 $0xFFFFF000, s31;
	s2 =	sshrl.u32 s2, $0x7;
	p0 =	sne.s32 s23, s30;
	[tilespmem:s0+$0x0 ss:$0x81] =	vst.msk $0xffff, v2  }
0x7c: {  	s6 =	sshrl.u32 s31, $0x7;
	s0 =	sand.u32 $0x3F80, s29;
	s2 =	sand.u32 $0x78, s2  }
0x7d: {  	s3 =	sshrl.u32 s3, $0x7;
	s4 =	sshrl.u32 s4, $0x7;
	v3 =	vld.idx.msk [tilespmem:v0+s0+$0x40 ss:$0x1], $0xffff;
	s7 =	sxor.u32 $0x40, s2  }
0x7e: {  	s5 =	sshrl.u32 s5, $0x7;
	s6 =	sand.u32 $0x78, s6;
	v4 =	vld.idx.msk [tilespmem:v0+s0+$0x0 ss:$0x1], $0xffff;
	s7 =	smul.u32 $0x204, s7  }
0x7f: {  	s20 =	sand.u32 $0x7F, s1;
	s3 =	sand.u32 $0x78, s3;
	s4 =	sand.u32 $0x78, s4;
	v5 =	vld.idx.msk [tilespmem:v0+s0+$0x10 ss:$0x1], $0xffff  }
0x80: {  	s5 =	sand.u32 $0x78, s5;
	s1 =	smul.u32 $0x204, s2;
	v6 =	vld.idx.msk [tilespmem:v0+s0+$0x20 ss:$0x1], $0xffff;
	s7 =	sshrl.u32 s7, $0x2  }
0x81: {  	s3 =	smul.u32 $0x204, s3;
	v1 =	vld.idx.msk [tilespmem:v0+s0+$0x30 ss:$0x1], $0xffff;
	s2 =	sadd.s32 s7, s28  }
0x82: {  	s2 =	sadd.s32 s20, s2;
	v2 =	vld.idx.msk [tilespmem:v0+s0+$0x50 ss:$0x1], $0xffff;
	s0 =	sshrl.u32 s1, $0x2;
	s1 =	smul.u32 $0x204, s4  }
0x83: {  	s4 =	smul.u32 $0x204, s6;
	[tilespmem:s2+$0x0 ss:$0x81] =	vst.msk $0xffff, v3  }
0x84: {  	s0 =	sadd.s32 s0, s28;
	s2 =	sshrl.u32 s3, $0x2;
	s3 =	smul.u32 $0x204, s5  }
.Ltmp5:
0x85: {  	s2 =	sadd.s32 s2, s28;
	s1 =	sshrl.u32 s1, $0x2;
	(pc) =	sbr.rel @p0 .LBB1_6-.Ltmp5, $4  }
0x86: {  	s0 =	sadd.s32 s20, s0;
	s1 =	sadd.s32 s1, s28;
	s3 =	sshrl.u32 s3, $0x2  }
0x87: {  	[tilespmem:s0+$0x0 ss:$0x81] =	vst.msk $0xffff, v4;
	s0 =	sadd.s32 s20, s2;
	s2 =	sadd.s32 s3, s28;
	s3 =	sshrl.u32 s4, $0x2  }
0x88: {  	[tilespmem:s0+$0x0 ss:$0x81] =	vst.msk $0xffff, v5;
	s0 =	sadd.s32 s20, s1;
	s1 =	sadd.s32 s20, s2;
	s2 =	sadd.s32 s3, s28  }
0x89: {  	s31 =	sadd.s32 $0x8, s31;
	[tilespmem:s0+$0x0 ss:$0x81] =	vst.msk $0xffff, v6;
	s0 =	sadd.s32 s20, s2  }
.LBB1_7:
0x8a: {  	s27 =	sadd.s32 $0x1, s27  }
0x8b: {  	p0 =	sne.s32 s27, s22  }
.Ltmp6:
0x8c: {  	_ = 	snop;
	(pc) =	sbr.rel @p0 .LBB1_5-.Ltmp6, $3  }
0x8d: {  	_ =	sdelay $0x1  }
0x8e: {  	[tilespmem:s1+$0x0 ss:$0x81] =	vst.msk $0xffff, v1  }
0x8f: {  	[tilespmem:s0+$0x0 ss:$0x81] =	vst.msk $0xffff, v2  }
0x90: {  	s26 =	sadd.s32 $0x1, s26  }
0x91: {  	p0 =	sne.s32 s26, s21  }
.Ltmp7:
0x92: {  	_ = 	snop;
	(pc) =	sbr.rel @p0 .LBB1_4-.Ltmp7, $4  }
.Ltmp8:
0x93: {  	_ = 	snop;
	(pc) =	sbr.rel @!p0 .LBB1_9-.Ltmp8, $4  }
0x94: {  	_ = 	snop  }
0x95: {  	_ = 	snop  }
0x96: {  	_ = 	snop  }
0x97: {  	_ = 	snop  }
.LBB1_11:
0x98: {  	_ =	sfence.sel $0x180000  }
0x99: {  	s0 =	simm.s32 $0x1;
	[bflag:$0x0] =	sbarrier.arrive $0xFFFF  }
0x9a: {  	s30 =	simm.s32 $0x2;
	[sflag:s0] =	ssyncpa.u1 $0x1  }
0x9b: {  	[sflag:s30] =	ssyncpa.u1 $0x1  }
0x9c: {  	_ =	strace $0x9000004A  }
0x9d: {  	s31 =	stileid.u32;
	[bflag:$0x2] =	sbarrier.arrive $0xFFFF  }
0x9e: {  	p0 =	sne.s32 s31, $0x0;
	s0 =	rddreg [dreg:$0x2]  }
0x9f: {  	s0 =	sadd.s32 @!p0 $0x100000, s0  }
0xa0: {  	[sflag:s0] =	ssyncadd.tile.s32 @!p0 $0x1;
	_ =	shalt  }
.Lfunc_end1:
_tile_overlayer_lowered:
.L_overlay_start_2:
0xa1: {  	(tag) =	ssettag $0x2  }
0xa2: {  	s0 =	rddreg [dreg:$0x0];
	s2 =	stileid.u32  }
0xa3: {  	s1 =	rddreg [dreg:$0x1];
	p0 =	sne.s32 s2, $0x0  }
0xa4: {  	s3 =	rddreg [dreg:$0x2];
	[bflag:$0x3] =	sbarrier.arrive $0xFFFF;
	s2 =	simm.s32 @!p0 $0x1C01  }
0xa5: {  	[timem:s3], [sflag:s2] =	dma.local @!p0 [hbm:s0], s1  }
0xa6: {  	s0 =	simm.s32 @!p0 $0x1  }
0xa7: {  	_ =	swait.ge @!p0 [sflag:s0], s1  }
0xa8: {  	s1 =	ssub.s32 @!p0 $0x0, s1;
	[sflag:s0] =	ssyncset.done @!p0 $0x0  }
0xa9: {  	[sflag:s0] =	ssyncadd.s32 @!p0 s1  }
0xaa: {  	[bflag:$0x3] =	sbarrier.arrive $0xFFFF  }
0xab: {  	_ =	shalt  }

</sc_bundles>
